<compile_context>
chip_gen: v7x
topology: tpu7x:2x2x1
jax: 0.10.2.dev20260603
libtpu: 0.0.44.dev20260713+nightly
codegen_flags: <defaults>
</compile_context>

<pallas_src>
import functools

import jax
import jax.numpy as jnp
from jax import lax
from jax.experimental import pallas as pl
from jax.experimental.pallas import tpu as pltpu
from jax.experimental.pallas import tpu_sc as plsc

_DIM = 64
_NUM_WORKERS = 32
_MEGA = 8


def _build(batch: int, seq: int):
    rows_per_worker = batch // _NUM_WORKERS
    n_mega = rows_per_worker // _MEGA
    n_pairs = n_mega // 2
    mesh = plsc.VectorSubcoreMesh(core_axis_name="c", subcore_axis_name="s")

    @functools.partial(
        pl.kernel,
        mesh=mesh,
        compiler_params=pltpu.CompilerParams(use_tc_tiling_on_sc=False),
        out_type=jax.ShapeDtypeStruct((batch, seq, _DIM), jnp.float32),
        scratch_types=[
            pltpu.VMEM((rows_per_worker, seq), jnp.int32),
            pltpu.VMEM((_MEGA, seq, _DIM), jnp.float32),
            pltpu.VMEM((_MEGA, seq, _DIM), jnp.float32),
            pltpu.SemaphoreType.DMA,
            pltpu.SemaphoreType.DMA,
        ],
    )
    def gather_kernel(idx_hbm, table_hbm, out_hbm, idx_v, buf_a, buf_b, sem_a, sem_b):
        wid = lax.axis_index("s") * 2 + lax.axis_index("c")
        base = wid * rows_per_worker
        pltpu.sync_copy(idx_hbm.at[pl.ds(base, rows_per_worker)], idx_v)

        def start_mega(m, buf, sem):
            for c in range(_MEGA):
                pltpu.async_copy(
                    table_hbm.at[idx_v.at[m * _MEGA + c]],
                    buf.at[c],
                    sem,
                )

        def wait_mega(buf, sem):
            pltpu.make_async_copy(
                out_hbm.at[pl.ds(base, _MEGA)], buf, sem
            ).wait()

        def out_mega(m, buf):
            pltpu.sync_copy(
                buf, out_hbm.at[pl.ds(base + m * _MEGA, _MEGA)]
            )

        start_mega(0, buf_a, sem_a)

        def body(t, carry):
            start_mega(2 * t + 1, buf_b, sem_b)
            wait_mega(buf_a, sem_a)
            out_mega(2 * t, buf_a)
            start_mega(2 * t + 2, buf_a, sem_a)
            wait_mega(buf_b, sem_b)
            out_mega(2 * t + 1, buf_b)
            return carry

        lax.fori_loop(0, n_pairs - 1, body, 0)
        start_mega(n_mega - 1, buf_b, sem_b)
        wait_mega(buf_a, sem_a)
        out_mega(n_mega - 2, buf_a)
        wait_mega(buf_b, sem_b)
        out_mega(n_mega - 1, buf_b)

    return gather_kernel


def kernel(x, table):
    batch, seq = x.shape
    tpad = jnp.pad(table, ((0, 0), (0, _DIM))).reshape(-1, _DIM)
    return _build(batch, seq)(x * 2, tpad)

# --- scband reference (transcript-rebuilt; emitter-appended) ---
"""Pipeline reference for scband-embedder-5600637354434 (READ-ONLY COPY).

The authoritative reference and input builder live on the scoring server;
editing this copy changes nothing except your own understanding.
"""

import jax, jax.numpy as jnp
import numpy as np

VOCAB = 1000000
DIM = 64

def setup_inputs(seed: int = 0) -> dict:
    key = jax.random.key(seed)
    k_idx, k_tab = jax.random.split(key)
    x = jax.random.randint(k_idx, (4096, 50), 0, VOCAB, dtype=jnp.int64 if jax.config.jax_enable_x64 else jnp.int32)
    table = jax.random.normal(k_tab, (VOCAB, DIM), dtype=jnp.float32)
    return {"x": x, "table": table}

def reference(x, table):
    # nn.Embedding forward: row gather from the embedding table
    return jnp.take(table, x, axis=0)

if __name__ == "__main__":
    import jax
    _d = setup_inputs()
    print(jax.jit(kernel)(*tuple(_d.values())))

</pallas_src>

<mosaic_0001>
#map = affine_map<(d0, d1) -> (0, 0)>
#map1 = affine_map<(d0, d1) -> (0, 0, 0)>
module attributes {stable_mosaic.version = 14 : i64} {
  func.func @gather_kernel(%arg0: i32, %arg1: i32, %arg2: memref<4096x50xi32, #tpu.memory_space<hbm>>, %arg3: memref<2000000x64xf32, #tpu.memory_space<hbm>>, %arg4: memref<4096x50x64xf32, #tpu.memory_space<hbm>>, %arg5: memref<128x50xi32, #tpu.memory_space<vmem>>, %arg6: memref<8x50x64xf32, #tpu.memory_space<vmem>>, %arg7: memref<8x50x64xf32, #tpu.memory_space<vmem>>, %arg8: memref<!tpu.dma_semaphore, #tpu.memory_space<semaphore_mem>>, %arg9: memref<!tpu.dma_semaphore, #tpu.memory_space<semaphore_mem>>) attributes {dimension_semantics = [#tpu.dimension_semantics<core_parallel>, #tpu.dimension_semantics<subcore_parallel>], iteration_bounds = array<i64: 2, 16>, scalar_prefetch = 0 : i64, scratch_operands = 5 : i64, tpu.core_type = #tpu.core_type<sc_vector_subcore>, window_params = [{transform_indices = #map}, {transform_indices = #map}, {transform_indices = #map1}]} {
    %mul3A = arith.constant 2 : i32
    %mul3A_0 = arith.muli %arg1, %mul3A : i32
    %add3A = arith.addi %mul3A_0, %arg0 : i32
    %mul3A_1 = arith.constant 128 : i32
    %mul3A_2 = arith.muli %add3A, %mul3A_1 : i32
    "tpu.region"() ({
      %run_scoped3A = tpu.sem_alloc : memref<!tpu.dma_semaphore, #tpu.memory_space<semaphore_mem>>
      %dma_start3A_214 = arith.constant 0 : i32
      %dma_start3A_215 = tpu.memref_slice %arg2[%mul3A_2, %dma_start3A_214] : memref<4096x50xi32, #tpu.memory_space<hbm>> -> memref<128x50xi32, #tpu.memory_space<hbm>>
      %dma_start3A_216 = arith.constant 0 : i32
      %dma_start3A_217 = tpu.memref_slice %arg2[%mul3A_2, %dma_start3A_216] : memref<4096x50xi32, #tpu.memory_space<hbm>> -> memref<128x50xi32, #tpu.memory_space<hbm>>
      tpu.enqueue_dma source(%dma_start3A_217 : memref<128x50xi32, #tpu.memory_space<hbm>>) target(%arg5 : memref<128x50xi32, #tpu.memory_space<vmem>>) target_semaphore(%run_scoped3A : memref<!tpu.dma_semaphore, #tpu.memory_space<semaphore_mem>>)
      %dma_wait3A_218 = arith.constant 0 : i32
      %dma_wait3A_219 = tpu.memref_slice %arg2[%mul3A_2, %dma_wait3A_218] : memref<4096x50xi32, #tpu.memory_space<hbm>> -> memref<128x50xi32, #tpu.memory_space<hbm>>
      %dma_wait3A_220 = arith.constant 0 : i32
      %dma_wait3A_221 = tpu.memref_slice %arg2[%mul3A_2, %dma_wait3A_220] : memref<4096x50xi32, #tpu.memory_space<hbm>> -> memref<128x50xi32, #tpu.memory_space<hbm>>
      tpu.wait_dma2 semaphore(%run_scoped3A : memref<!tpu.dma_semaphore, #tpu.memory_space<semaphore_mem>>) src(%dma_wait3A_221 : memref<128x50xi32, #tpu.memory_space<hbm>>) dst(%arg5 : memref<128x50xi32, #tpu.memory_space<vmem>>)
      tpu.yield
    }) : () -> ()
    %dma_start3A = arith.constant 0 : i32
    %dma_start3A_3 = arith.constant 0 : i32
    %dma_start3A_4 = arith.constant 0 : i32
    %dma_start3A_5 = arith.constant 0 : i32
    %dma_start3A_6 = tpu.memref_slice %arg6[%dma_start3A_3, %dma_start3A_4, %dma_start3A_5] : memref<8x50x64xf32, #tpu.memory_space<vmem>> -> memref<1x50x64xf32, #tpu.memory_space<vmem>>
    %dma_start3A_7 = tpu.memref_squeeze %dma_start3A_6 : memref<1x50x64xf32, #tpu.memory_space<vmem>> -> memref<50x64xf32, #tpu.memory_space<vmem>>
    %dma_start3A_8 = arith.constant 0 : i32
    %dma_start3A_9 = tpu.memref_slice %arg5[%dma_start3A, %dma_start3A_8] : memref<128x50xi32, #tpu.memory_space<vmem>> -> memref<1x50xi32, #tpu.memory_space<vmem>>
    %dma_start3A_10 = tpu.memref_squeeze %dma_start3A_9 : memref<1x50xi32, #tpu.memory_space<vmem>> -> memref<50xi32, #tpu.memory_space<vmem>>
    %dma_start3A_11 = arith.constant 0 : i32
    %dma_start3A_12 = arith.constant 0 : i32
    %dma_start3A_13 = tpu.memref_slice %arg3[%dma_start3A_11, %dma_start3A_12] : memref<2000000x64xf32, #tpu.memory_space<hbm>> -> memref<2000000x64xf32, #tpu.memory_space<hbm>>
    tpu.enqueue_indirect_dma source(%dma_start3A_13 : memref<2000000x64xf32, #tpu.memory_space<hbm>>) target(%dma_start3A_7 : memref<50x64xf32, #tpu.memory_space<vmem>>) offsets(%dma_start3A_10 : memref<50xi32, #tpu.memory_space<vmem>>) semaphore(%arg8 : memref<!tpu.dma_semaphore, #tpu.memory_space<semaphore_mem>>)
    %dma_start3A_14 = arith.constant 1 : i32
    %dma_start3A_15 = arith.constant 1 : i32
    %dma_start3A_16 = arith.constant 0 : i32
    %dma_start3A_17 = arith.constant 0 : i32
    %dma_start3A_18 = tpu.memref_slice %arg6[%dma_start3A_15, %dma_start3A_16, %dma_start3A_17] : memref<8x50x64xf32, #tpu.memory_space<vmem>> -> memref<1x50x64xf32, #tpu.memory_space<vmem>>
    %dma_start3A_19 = tpu.memref_squeeze %dma_start3A_18 : memref<1x50x64xf32, #tpu.memory_space<vmem>> -> memref<50x64xf32, #tpu.memory_space<vmem>>
    %dma_start3A_20 = arith.constant 0 : i32
    %dma_start3A_21 = tpu.memref_slice %arg5[%dma_start3A_14, %dma_start3A_20] : memref<128x50xi32, #tpu.memory_space<vmem>> -> memref<1x50xi32, #tpu.memory_space<vmem>>
    %dma_start3A_22 = tpu.memref_squeeze %dma_start3A_21 : memref<1x50xi32, #tpu.memory_space<vmem>> -> memref<50xi32, #tpu.memory_space<vmem>>
    %dma_start3A_23 = arith.constant 0 : i32
    %dma_start3A_24 = arith.constant 0 : i32
    %dma_start3A_25 = tpu.memref_slice %arg3[%dma_start3A_23, %dma_start3A_24] : memref<2000000x64xf32, #tpu.memory_space<hbm>> -> memref<2000000x64xf32, #tpu.memory_space<hbm>>
    tpu.enqueue_indirect_dma source(%dma_start3A_25 : memref<2000000x64xf32, #tpu.memory_space<hbm>>) target(%dma_start3A_19 : memref<50x64xf32, #tpu.memory_space<vmem>>) offsets(%dma_start3A_22 : memref<50xi32, #tpu.memory_space<vmem>>) semaphore(%arg8 : memref<!tpu.dma_semaphore, #tpu.memory_space<semaphore_mem>>)
    %dma_start3A_26 = arith.constant 2 : i32
    %dma_start3A_27 = arith.constant 2 : i32
    %dma_start3A_28 = arith.constant 0 : i32
    %dma_start3A_29 = arith.constant 0 : i32
    %dma_start3A_30 = tpu.memref_slice %arg6[%dma_start3A_27, %dma_start3A_28, %dma_start3A_29] : memref<8x50x64xf32, #tpu.memory_space<vmem>> -> memref<1x50x64xf32, #tpu.memory_space<vmem>>
    %dma_start3A_31 = tpu.memref_squeeze %dma_start3A_30 : memref<1x50x64xf32, #tpu.memory_space<vmem>> -> memref<50x64xf32, #tpu.memory_space<vmem>>
    %dma_start3A_32 = arith.constant 0 : i32
    %dma_start3A_33 = tpu.memref_slice %arg5[%dma_start3A_26, %dma_start3A_32] : memref<128x50xi32, #tpu.memory_space<vmem>> -> memref<1x50xi32, #tpu.memory_space<vmem>>
    %dma_start3A_34 = tpu.memref_squeeze %dma_start3A_33 : memref<1x50xi32, #tpu.memory_space<vmem>> -> memref<50xi32, #tpu.memory_space<vmem>>
    %dma_start3A_35 = arith.constant 0 : i32
    %dma_start3A_36 = arith.constant 0 : i32
    %dma_start3A_37 = tpu.memref_slice %arg3[%dma_start3A_35, %dma_start3A_36] : memref<2000000x64xf32, #tpu.memory_space<hbm>> -> memref<2000000x64xf32, #tpu.memory_space<hbm>>
    tpu.enqueue_indirect_dma source(%dma_start3A_37 : memref<2000000x64xf32, #tpu.memory_space<hbm>>) target(%dma_start3A_31 : memref<50x64xf32, #tpu.memory_space<vmem>>) offsets(%dma_start3A_34 : memref<50xi32, #tpu.memory_space<vmem>>) semaphore(%arg8 : memref<!tpu.dma_semaphore, #tpu.memory_space<semaphore_mem>>)
    %dma_start3A_38 = arith.constant 3 : i32
    %dma_start3A_39 = arith.constant 3 : i32
    %dma_start3A_40 = arith.constant 0 : i32
    %dma_start3A_41 = arith.constant 0 : i32
    %dma_start3A_42 = tpu.memref_slice %arg6[%dma_start3A_39, %dma_start3A_40, %dma_start3A_41] : memref<8x50x64xf32, #tpu.memory_space<vmem>> -> memref<1x50x64xf32, #tpu.memory_space<vmem>>
    %dma_start3A_43 = tpu.memref_squeeze %dma_start3A_42 : memref<1x50x64xf32, #tpu.memory_space<vmem>> -> memref<50x64xf32, #tpu.memory_space<vmem>>
    %dma_start3A_44 = arith.constant 0 : i32
    %dma_start3A_45 = tpu.memref_slice %arg5[%dma_start3A_38, %dma_start3A_44] : memref<128x50xi32, #tpu.memory_space<vmem>> -> memref<1x50xi32, #tpu.memory_space<vmem>>
    %dma_start3A_46 = tpu.memref_squeeze %dma_start3A_45 : memref<1x50xi32, #tpu.memory_space<vmem>> -> memref<50xi32, #tpu.memory_space<vmem>>
    %dma_start3A_47 = arith.constant 0 : i32
    %dma_start3A_48 = arith.constant 0 : i32
    %dma_start3A_49 = tpu.memref_slice %arg3[%dma_start3A_47, %dma_start3A_48] : memref<2000000x64xf32, #tpu.memory_space<hbm>> -> memref<2000000x64xf32, #tpu.memory_space<hbm>>
    tpu.enqueue_indirect_dma source(%dma_start3A_49 : memref<2000000x64xf32, #tpu.memory_space<hbm>>) target(%dma_start3A_43 : memref<50x64xf32, #tpu.memory_space<vmem>>) offsets(%dma_start3A_46 : memref<50xi32, #tpu.memory_space<vmem>>) semaphore(%arg8 : memref<!tpu.dma_semaphore, #tpu.memory_space<semaphore_mem>>)
    %dma_start3A_50 = arith.constant 4 : i32
    %dma_start3A_51 = arith.constant 4 : i32
    %dma_start3A_52 = arith.constant 0 : i32
    %dma_start3A_53 = arith.constant 0 : i32
    %dma_start3A_54 = tpu.memref_slice %arg6[%dma_start3A_51, %dma_start3A_52, %dma_start3A_53] : memref<8x50x64xf32, #tpu.memory_space<vmem>> -> memref<1x50x64xf32, #tpu.memory_space<vmem>>
    %dma_start3A_55 = tpu.memref_squeeze %dma_start3A_54 : memref<1x50x64xf32, #tpu.memory_space<vmem>> -> memref<50x64xf32, #tpu.memory_space<vmem>>
    %dma_start3A_56 = arith.constant 0 : i32
    %dma_start3A_57 = tpu.memref_slice %arg5[%dma_start3A_50, %dma_start3A_56] : memref<128x50xi32, #tpu.memory_space<vmem>> -> memref<1x50xi32, #tpu.memory_space<vmem>>
    %dma_start3A_58 = tpu.memref_squeeze %dma_start3A_57 : memref<1x50xi32, #tpu.memory_space<vmem>> -> memref<50xi32, #tpu.memory_space<vmem>>
    %dma_start3A_59 = arith.constant 0 : i32
    %dma_start3A_60 = arith.constant 0 : i32
    %dma_start3A_61 = tpu.memref_slice %arg3[%dma_start3A_59, %dma_start3A_60] : memref<2000000x64xf32, #tpu.memory_space<hbm>> -> memref<2000000x64xf32, #tpu.memory_space<hbm>>
    tpu.enqueue_indirect_dma source(%dma_start3A_61 : memref<2000000x64xf32, #tpu.memory_space<hbm>>) target(%dma_start3A_55 : memref<50x64xf32, #tpu.memory_space<vmem>>) offsets(%dma_start3A_58 : memref<50xi32, #tpu.memory_space<vmem>>) semaphore(%arg8 : memref<!tpu.dma_semaphore, #tpu.memory_space<semaphore_mem>>)
    %dma_start3A_62 = arith.constant 5 : i32
    %dma_start3A_63 = arith.constant 5 : i32
    %dma_start3A_64 = arith.constant 0 : i32
    %dma_start3A_65 = arith.constant 0 : i32
    %dma_start3A_66 = tpu.memref_slice %arg6[%dma_start3A_63, %dma_start3A_64, %dma_start3A_65] : memref<8x50x64xf32, #tpu.memory_space<vmem>> -> memref<1x50x64xf32, #tpu.memory_space<vmem>>
    %dma_start3A_67 = tpu.memref_squeeze %dma_start3A_66 : memref<1x50x64xf32, #tpu.memory_space<vmem>> -> memref<50x64xf32, #tpu.memory_space<vmem>>
    %dma_start3A_68 = arith.constant 0 : i32
    %dma_start3A_69 = tpu.memref_slice %arg5[%dma_start3A_62, %dma_start3A_68] : memref<128x50xi32, #tpu.memory_space<vmem>> -> memref<1x50xi32, #tpu.memory_space<vmem>>
    %dma_start3A_70 = tpu.memref_squeeze %dma_start3A_69 : memref<1x50xi32, #tpu.memory_space<vmem>> -> memref<50xi32, #tpu.memory_space<vmem>>
    %dma_start3A_71 = arith.constant 0 : i32
    %dma_start3A_72 = arith.constant 0 : i32
    %dma_start3A_73 = tpu.memref_slice %arg3[%dma_start3A_71, %dma_start3A_72] : memref<2000000x64xf32, #tpu.memory_space<hbm>> -> memref<2000000x64xf32, #tpu.memory_space<hbm>>
    tpu.enqueue_indirect_dma source(%dma_start3A_73 : memref<2000000x64xf32, #tpu.memory_space<hbm>>) target(%dma_start3A_67 : memref<50x64xf32, #tpu.memory_space<vmem>>) offsets(%dma_start3A_70 : memref<50xi32, #tpu.memory_space<vmem>>) semaphore(%arg8 : memref<!tpu.dma_semaphore, #tpu.memory_space<semaphore_mem>>)
    %dma_start3A_74 = arith.constant 6 : i32
    %dma_start3A_75 = arith.constant 6 : i32
    %dma_start3A_76 = arith.constant 0 : i32
    %dma_start3A_77 = arith.constant 0 : i32
    %dma_start3A_78 = tpu.memref_slice %arg6[%dma_start3A_75, %dma_start3A_76, %dma_start3A_77] : memref<8x50x64xf32, #tpu.memory_space<vmem>> -> memref<1x50x64xf32, #tpu.memory_space<vmem>>
    %dma_start3A_79 = tpu.memref_squeeze %dma_start3A_78 : memref<1x50x64xf32, #tpu.memory_space<vmem>> -> memref<50x64xf32, #tpu.memory_space<vmem>>
    %dma_start3A_80 = arith.constant 0 : i32
    %dma_start3A_81 = tpu.memref_slice %arg5[%dma_start3A_74, %dma_start3A_80] : memref<128x50xi32, #tpu.memory_space<vmem>> -> memref<1x50xi32, #tpu.memory_space<vmem>>
    %dma_start3A_82 = tpu.memref_squeeze %dma_start3A_81 : memref<1x50xi32, #tpu.memory_space<vmem>> -> memref<50xi32, #tpu.memory_space<vmem>>
    %dma_start3A_83 = arith.constant 0 : i32
    %dma_start3A_84 = arith.constant 0 : i32
    %dma_start3A_85 = tpu.memref_slice %arg3[%dma_start3A_83, %dma_start3A_84] : memref<2000000x64xf32, #tpu.memory_space<hbm>> -> memref<2000000x64xf32, #tpu.memory_space<hbm>>
    tpu.enqueue_indirect_dma source(%dma_start3A_85 : memref<2000000x64xf32, #tpu.memory_space<hbm>>) target(%dma_start3A_79 : memref<50x64xf32, #tpu.memory_space<vmem>>) offsets(%dma_start3A_82 : memref<50xi32, #tpu.memory_space<vmem>>) semaphore(%arg8 : memref<!tpu.dma_semaphore, #tpu.memory_space<semaphore_mem>>)
    %dma_start3A_86 = arith.constant 7 : i32
    %dma_start3A_87 = arith.constant 7 : i32
    %dma_start3A_88 = arith.constant 0 : i32
    %dma_start3A_89 = arith.constant 0 : i32
    %dma_start3A_90 = tpu.memref_slice %arg6[%dma_start3A_87, %dma_start3A_88, %dma_start3A_89] : memref<8x50x64xf32, #tpu.memory_space<vmem>> -> memref<1x50x64xf32, #tpu.memory_space<vmem>>
    %dma_start3A_91 = tpu.memref_squeeze %dma_start3A_90 : memref<1x50x64xf32, #tpu.memory_space<vmem>> -> memref<50x64xf32, #tpu.memory_space<vmem>>
    %dma_start3A_92 = arith.constant 0 : i32
    %dma_start3A_93 = tpu.memref_slice %arg5[%dma_start3A_86, %dma_start3A_92] : memref<128x50xi32, #tpu.memory_space<vmem>> -> memref<1x50xi32, #tpu.memory_space<vmem>>
    %dma_start3A_94 = tpu.memref_squeeze %dma_start3A_93 : memref<1x50xi32, #tpu.memory_space<vmem>> -> memref<50xi32, #tpu.memory_space<vmem>>
    %dma_start3A_95 = arith.constant 0 : i32
    %dma_start3A_96 = arith.constant 0 : i32
    %dma_start3A_97 = tpu.memref_slice %arg3[%dma_start3A_95, %dma_start3A_96] : memref<2000000x64xf32, #tpu.memory_space<hbm>> -> memref<2000000x64xf32, #tpu.memory_space<hbm>>
    tpu.enqueue_indirect_dma source(%dma_start3A_97 : memref<2000000x64xf32, #tpu.memory_space<hbm>>) target(%dma_start3A_91 : memref<50x64xf32, #tpu.memory_space<vmem>>) offsets(%dma_start3A_94 : memref<50xi32, #tpu.memory_space<vmem>>) semaphore(%arg8 : memref<!tpu.dma_semaphore, #tpu.memory_space<semaphore_mem>>)
    %scan3A = arith.constant 0 : i32
    %scan3A_98 = arith.constant 0 : i32
    %scan3A_99 = arith.constant 7 : i32
    %scan3A_100 = arith.addi %scan3A_98, %scan3A_99 : i32
    %scan3A_101 = arith.constant 1 : i32
    scf.for %scan3A_214 = %scan3A_98 to %scan3A_100 step %scan3A_101  : i32 {
      %mul3A_215 = arith.constant 2 : i32
      %mul3A_216 = arith.muli %mul3A_215, %scan3A_214 : i32
      %add3A_217 = arith.constant 1 : i32
      %add3A_218 = arith.addi %mul3A_216, %add3A_217 : i32
      %mul3A_219 = arith.constant 8 : i32
      %mul3A_220 = arith.muli %add3A_218, %mul3A_219 : i32
      %add3A_221 = arith.constant 0 : i32
      %add3A_222 = arith.addi %mul3A_220, %add3A_221 : i32
      %dma_start3A_223 = arith.constant 0 : i32
      %dma_start3A_224 = arith.constant 0 : i32
      %dma_start3A_225 = arith.constant 0 : i32
      %dma_start3A_226 = tpu.memref_slice %arg7[%dma_start3A_223, %dma_start3A_224, %dma_start3A_225] : memref<8x50x64xf32, #tpu.memory_space<vmem>> -> memref<1x50x64xf32, #tpu.memory_space<vmem>>
      %dma_start3A_227 = tpu.memref_squeeze %dma_start3A_226 : memref<1x50x64xf32, #tpu.memory_space<vmem>> -> memref<50x64xf32, #tpu.memory_space<vmem>>
      %dma_start3A_228 = arith.constant 0 : i32
      %dma_start3A_229 = tpu.memref_slice %arg5[%add3A_222, %dma_start3A_228] : memref<128x50xi32, #tpu.memory_space<vmem>> -> memref<1x50xi32, #tpu.memory_space<vmem>>
      %dma_start3A_230 = tpu.memref_squeeze %dma_start3A_229 : memref<1x50xi32, #tpu.memory_space<vmem>> -> memref<50xi32, #tpu.memory_space<vmem>>
      %dma_start3A_231 = arith.constant 0 : i32
      %dma_start3A_232 = arith.constant 0 : i32
      %dma_start3A_233 = tpu.memref_slice %arg3[%dma_start3A_231, %dma_start3A_232] : memref<2000000x64xf32, #tpu.memory_space<hbm>> -> memref<2000000x64xf32, #tpu.memory_space<hbm>>
      tpu.enqueue_indirect_dma source(%dma_start3A_233 : memref<2000000x64xf32, #tpu.memory_space<hbm>>) target(%dma_start3A_227 : memref<50x64xf32, #tpu.memory_space<vmem>>) offsets(%dma_start3A_230 : memref<50xi32, #tpu.memory_space<vmem>>) semaphore(%arg9 : memref<!tpu.dma_semaphore, #tpu.memory_space<semaphore_mem>>)
      %mul3A_234 = arith.constant 8 : i32
      %mul3A_235 = arith.muli %add3A_218, %mul3A_234 : i32
      %add3A_236 = arith.constant 1 : i32
      %add3A_237 = arith.addi %mul3A_235, %add3A_236 : i32
      %dma_start3A_238 = arith.constant 1 : i32
      %dma_start3A_239 = arith.constant 0 : i32
      %dma_start3A_240 = arith.constant 0 : i32
      %dma_start3A_241 = tpu.memref_slice %arg7[%dma_start3A_238, %dma_start3A_239, %dma_start3A_240] : memref<8x50x64xf32, #tpu.memory_space<vmem>> -> memref<1x50x64xf32, #tpu.memory_space<vmem>>
      %dma_start3A_242 = tpu.memref_squeeze %dma_start3A_241 : memref<1x50x64xf32, #tpu.memory_space<vmem>> -> memref<50x64xf32, #tpu.memory_space<vmem>>
      %dma_start3A_243 = arith.constant 0 : i32
      %dma_start3A_244 = tpu.memref_slice %arg5[%add3A_237, %dma_start3A_243] : memref<128x50xi32, #tpu.memory_space<vmem>> -> memref<1x50xi32, #tpu.memory_space<vmem>>
      %dma_start3A_245 = tpu.memref_squeeze %dma_start3A_244 : memref<1x50xi32, #tpu.memory_space<vmem>> -> memref<50xi32, #tpu.memory_space<vmem>>
      %dma_start3A_246 = arith.constant 0 : i32
      %dma_start3A_247 = arith.constant 0 : i32
      %dma_start3A_248 = tpu.memref_slice %arg3[%dma_start3A_246, %dma_start3A_247] : memref<2000000x64xf32, #tpu.memory_space<hbm>> -> memref<2000000x64xf32, #tpu.memory_space<hbm>>
      tpu.enqueue_indirect_dma source(%dma_start3A_248 : memref<2000000x64xf32, #tpu.memory_space<hbm>>) target(%dma_start3A_242 : memref<50x64xf32, #tpu.memory_space<vmem>>) offsets(%dma_start3A_245 : memref<50xi32, #tpu.memory_space<vmem>>) semaphore(%arg9 : memref<!tpu.dma_semaphore, #tpu.memory_space<semaphore_mem>>)
      %mul3A_249 = arith.constant 8 : i32
      %mul3A_250 = arith.muli %add3A_218, %mul3A_249 : i32
      %add3A_251 = arith.constant 2 : i32
      %add3A_252 = arith.addi %mul3A_250, %add3A_251 : i32
      %dma_start3A_253 = arith.constant 2 : i32
      %dma_start3A_254 = arith.constant 0 : i32
      %dma_start3A_255 = arith.constant 0 : i32
      %dma_start3A_256 = tpu.memref_slice %arg7[%dma_start3A_253, %dma_start3A_254, %dma_start3A_255] : memref<8x50x64xf32, #tpu.memory_space<vmem>> -> memref<1x50x64xf32, #tpu.memory_space<vmem>>
      %dma_start3A_257 = tpu.memref_squeeze %dma_start3A_256 : memref<1x50x64xf32, #tpu.memory_space<vmem>> -> memref<50x64xf32, #tpu.memory_space<vmem>>
      %dma_start3A_258 = arith.constant 0 : i32
      %dma_start3A_259 = tpu.memref_slice %arg5[%add3A_252, %dma_start3A_258] : memref<128x50xi32, #tpu.memory_space<vmem>> -> memref<1x50xi32, #tpu.memory_space<vmem>>
      %dma_start3A_260 = tpu.memref_squeeze %dma_start3A_259 : memref<1x50xi32, #tpu.memory_space<vmem>> -> memref<50xi32, #tpu.memory_space<vmem>>
      %dma_start3A_261 = arith.constant 0 : i32
      %dma_start3A_262 = arith.constant 0 : i32
      %dma_start3A_263 = tpu.memref_slice %arg3[%dma_start3A_261, %dma_start3A_262] : memref<2000000x64xf32, #tpu.memory_space<hbm>> -> memref<2000000x64xf32, #tpu.memory_space<hbm>>
      tpu.enqueue_indirect_dma source(%dma_start3A_263 : memref<2000000x64xf32, #tpu.memory_space<hbm>>) target(%dma_start3A_257 : memref<50x64xf32, #tpu.memory_space<vmem>>) offsets(%dma_start3A_260 : memref<50xi32, #tpu.memory_space<vmem>>) semaphore(%arg9 : memref<!tpu.dma_semaphore, #tpu.memory_space<semaphore_mem>>)
      %mul3A_264 = arith.constant 8 : i32
      %mul3A_265 = arith.muli %add3A_218, %mul3A_264 : i32
      %add3A_266 = arith.constant 3 : i32
      %add3A_267 = arith.addi %mul3A_265, %add3A_266 : i32
      %dma_start3A_268 = arith.constant 3 : i32
      %dma_start3A_269 = arith.constant 0 : i32
      %dma_start3A_270 = arith.constant 0 : i32
      %dma_start3A_271 = tpu.memref_slice %arg7[%dma_start3A_268, %dma_start3A_269, %dma_start3A_270] : memref<8x50x64xf32, #tpu.memory_space<vmem>> -> memref<1x50x64xf32, #tpu.memory_space<vmem>>
      %dma_start3A_272 = tpu.memref_squeeze %dma_start3A_271 : memref<1x50x64xf32, #tpu.memory_space<vmem>> -> memref<50x64xf32, #tpu.memory_space<vmem>>
      %dma_start3A_273 = arith.constant 0 : i32
      %dma_start3A_274 = tpu.memref_slice %arg5[%add3A_267, %dma_start3A_273] : memref<128x50xi32, #tpu.memory_space<vmem>> -> memref<1x50xi32, #tpu.memory_space<vmem>>
      %dma_start3A_275 = tpu.memref_squeeze %dma_start3A_274 : memref<1x50xi32, #tpu.memory_space<vmem>> -> memref<50xi32, #tpu.memory_space<vmem>>
      %dma_start3A_276 = arith.constant 0 : i32
      %dma_start3A_277 = arith.constant 0 : i32
      %dma_start3A_278 = tpu.memref_slice %arg3[%dma_start3A_276, %dma_start3A_277] : memref<2000000x64xf32, #tpu.memory_space<hbm>> -> memref<2000000x64xf32, #tpu.memory_space<hbm>>
      tpu.enqueue_indirect_dma source(%dma_start3A_278 : memref<2000000x64xf32, #tpu.memory_space<hbm>>) target(%dma_start3A_272 : memref<50x64xf32, #tpu.memory_space<vmem>>) offsets(%dma_start3A_275 : memref<50xi32, #tpu.memory_space<vmem>>) semaphore(%arg9 : memref<!tpu.dma_semaphore, #tpu.memory_space<semaphore_mem>>)
      %mul3A_279 = arith.constant 8 : i32
      %mul3A_280 = arith.muli %add3A_218, %mul3A_279 : i32
      %add3A_281 = arith.constant 4 : i32
      %add3A_282 = arith.addi %mul3A_280, %add3A_281 : i32
      %dma_start3A_283 = arith.constant 4 : i32
      %dma_start3A_284 = arith.constant 0 : i32
      %dma_start3A_285 = arith.constant 0 : i32
      %dma_start3A_286 = tpu.memref_slice %arg7[%dma_start3A_283, %dma_start3A_284, %dma_start3A_285] : memref<8x50x64xf32, #tpu.memory_space<vmem>> -> memref<1x50x64xf32, #tpu.memory_space<vmem>>
      %dma_start3A_287 = tpu.memref_squeeze %dma_start3A_286 : memref<1x50x64xf32, #tpu.memory_space<vmem>> -> memref<50x64xf32, #tpu.memory_space<vmem>>
      %dma_start3A_288 = arith.constant 0 : i32
      %dma_start3A_289 = tpu.memref_slice %arg5[%add3A_282, %dma_start3A_288] : memref<128x50xi32, #tpu.memory_space<vmem>> -> memref<1x50xi32, #tpu.memory_space<vmem>>
      %dma_start3A_290 = tpu.memref_squeeze %dma_start3A_289 : memref<1x50xi32, #tpu.memory_space<vmem>> -> memref<50xi32, #tpu.memory_space<vmem>>
      %dma_start3A_291 = arith.constant 0 : i32
      %dma_start3A_292 = arith.constant 0 : i32
      %dma_start3A_293 = tpu.memref_slice %arg3[%dma_start3A_291, %dma_start3A_292] : memref<2000000x64xf32, #tpu.memory_space<hbm>> -> memref<2000000x64xf32, #tpu.memory_space<hbm>>
      tpu.enqueue_indirect_dma source(%dma_start3A_293 : memref<2000000x64xf32, #tpu.memory_space<hbm>>) target(%dma_start3A_287 : memref<50x64xf32, #tpu.memory_space<vmem>>) offsets(%dma_start3A_290 : memref<50xi32, #tpu.memory_space<vmem>>) semaphore(%arg9 : memref<!tpu.dma_semaphore, #tpu.memory_space<semaphore_mem>>)
      %mul3A_294 = arith.constant 8 : i32
      %mul3A_295 = arith.muli %add3A_218, %mul3A_294 : i32
      %add3A_296 = arith.constant 5 : i32
      %add3A_297 = arith.addi %mul3A_295, %add3A_296 : i32
      %dma_start3A_298 = arith.constant 5 : i32
      %dma_start3A_299 = arith.constant 0 : i32
      %dma_start3A_300 = arith.constant 0 : i32
      %dma_start3A_301 = tpu.memref_slice %arg7[%dma_start3A_298, %dma_start3A_299, %dma_start3A_300] : memref<8x50x64xf32, #tpu.memory_space<vmem>> -> memref<1x50x64xf32, #tpu.memory_space<vmem>>
      %dma_start3A_302 = tpu.memref_squeeze %dma_start3A_301 : memref<1x50x64xf32, #tpu.memory_space<vmem>> -> memref<50x64xf32, #tpu.memory_space<vmem>>
      %dma_start3A_303 = arith.constant 0 : i32
      %dma_start3A_304 = tpu.memref_slice %arg5[%add3A_297, %dma_start3A_303] : memref<128x50xi32, #tpu.memory_space<vmem>> -> memref<1x50xi32, #tpu.memory_space<vmem>>
      %dma_start3A_305 = tpu.memref_squeeze %dma_start3A_304 : memref<1x50xi32, #tpu.memory_space<vmem>> -> memref<50xi32, #tpu.memory_space<vmem>>
      %dma_start3A_306 = arith.constant 0 : i32
      %dma_start3A_307 = arith.constant 0 : i32
      %dma_start3A_308 = tpu.memref_slice %arg3[%dma_start3A_306, %dma_start3A_307] : memref<2000000x64xf32, #tpu.memory_space<hbm>> -> memref<2000000x64xf32, #tpu.memory_space<hbm>>
      tpu.enqueue_indirect_dma source(%dma_start3A_308 : memref<2000000x64xf32, #tpu.memory_space<hbm>>) target(%dma_start3A_302 : memref<50x64xf32, #tpu.memory_space<vmem>>) offsets(%dma_start3A_305 : memref<50xi32, #tpu.memory_space<vmem>>) semaphore(%arg9 : memref<!tpu.dma_semaphore, #tpu.memory_space<semaphore_mem>>)
      %mul3A_309 = arith.constant 8 : i32
      %mul3A_310 = arith.muli %add3A_218, %mul3A_309 : i32
      %add3A_311 = arith.constant 6 : i32
      %add3A_312 = arith.addi %mul3A_310, %add3A_311 : i32
      %dma_start3A_313 = arith.constant 6 : i32
      %dma_start3A_314 = arith.constant 0 : i32
      %dma_start3A_315 = arith.constant 0 : i32
      %dma_start3A_316 = tpu.memref_slice %arg7[%dma_start3A_313, %dma_start3A_314, %dma_start3A_315] : memref<8x50x64xf32, #tpu.memory_space<vmem>> -> memref<1x50x64xf32, #tpu.memory_space<vmem>>
      %dma_start3A_317 = tpu.memref_squeeze %dma_start3A_316 : memref<1x50x64xf32, #tpu.memory_space<vmem>> -> memref<50x64xf32, #tpu.memory_space<vmem>>
      %dma_start3A_318 = arith.constant 0 : i32
      %dma_start3A_319 = tpu.memref_slice %arg5[%add3A_312, %dma_start3A_318] : memref<128x50xi32, #tpu.memory_space<vmem>> -> memref<1x50xi32, #tpu.memory_space<vmem>>
      %dma_start3A_320 = tpu.memref_squeeze %dma_start3A_319 : memref<1x50xi32, #tpu.memory_space<vmem>> -> memref<50xi32, #tpu.memory_space<vmem>>
      %dma_start3A_321 = arith.constant 0 : i32
      %dma_start3A_322 = arith.constant 0 : i32
      %dma_start3A_323 = tpu.memref_slice %arg3[%dma_start3A_321, %dma_start3A_322] : memref<2000000x64xf32, #tpu.memory_space<hbm>> -> memref<2000000x64xf32, #tpu.memory_space<hbm>>
      tpu.enqueue_indirect_dma source(%dma_start3A_323 : memref<2000000x64xf32, #tpu.memory_space<hbm>>) target(%dma_start3A_317 : memref<50x64xf32, #tpu.memory_space<vmem>>) offsets(%dma_start3A_320 : memref<50xi32, #tpu.memory_space<vmem>>) semaphore(%arg9 : memref<!tpu.dma_semaphore, #tpu.memory_space<semaphore_mem>>)
      %mul3A_324 = arith.constant 8 : i32
      %mul3A_325 = arith.muli %add3A_218, %mul3A_324 : i32
      %add3A_326 = arith.constant 7 : i32
      %add3A_327 = arith.addi %mul3A_325, %add3A_326 : i32
      %dma_start3A_328 = arith.constant 7 : i32
      %dma_start3A_329 = arith.constant 0 : i32
      %dma_start3A_330 = arith.constant 0 : i32
      %dma_start3A_331 = tpu.memref_slice %arg7[%dma_start3A_328, %dma_start3A_329, %dma_start3A_330] : memref<8x50x64xf32, #tpu.memory_space<vmem>> -> memref<1x50x64xf32, #tpu.memory_space<vmem>>
      %dma_start3A_332 = tpu.memref_squeeze %dma_start3A_331 : memref<1x50x64xf32, #tpu.memory_space<vmem>> -> memref<50x64xf32, #tpu.memory_space<vmem>>
      %dma_start3A_333 = arith.constant 0 : i32
      %dma_start3A_334 = tpu.memref_slice %arg5[%add3A_327, %dma_start3A_333] : memref<128x50xi32, #tpu.memory_space<vmem>> -> memref<1x50xi32, #tpu.memory_space<vmem>>
      %dma_start3A_335 = tpu.memref_squeeze %dma_start3A_334 : memref<1x50xi32, #tpu.memory_space<vmem>> -> memref<50xi32, #tpu.memory_space<vmem>>
      %dma_start3A_336 = arith.constant 0 : i32
      %dma_start3A_337 = arith.constant 0 : i32
      %dma_start3A_338 = tpu.memref_slice %arg3[%dma_start3A_336, %dma_start3A_337] : memref<2000000x64xf32, #tpu.memory_space<hbm>> -> memref<2000000x64xf32, #tpu.memory_space<hbm>>
      tpu.enqueue_indirect_dma source(%dma_start3A_338 : memref<2000000x64xf32, #tpu.memory_space<hbm>>) target(%dma_start3A_332 : memref<50x64xf32, #tpu.memory_space<vmem>>) offsets(%dma_start3A_335 : memref<50xi32, #tpu.memory_space<vmem>>) semaphore(%arg9 : memref<!tpu.dma_semaphore, #tpu.memory_space<semaphore_mem>>)
      %dma_wait3A_339 = arith.constant 0 : i32
      %dma_wait3A_340 = arith.constant 0 : i32
      %dma_wait3A_341 = tpu.memref_slice %arg4[%mul3A_2, %dma_wait3A_339, %dma_wait3A_340] : memref<4096x50x64xf32, #tpu.memory_space<hbm>> -> memref<8x50x64xf32, #tpu.memory_space<hbm>>
      %dma_wait3A_342 = arith.constant 0 : i32
      %dma_wait3A_343 = arith.constant 0 : i32
      %dma_wait3A_344 = tpu.memref_slice %arg4[%mul3A_2, %dma_wait3A_342, %dma_wait3A_343] : memref<4096x50x64xf32, #tpu.memory_space<hbm>> -> memref<8x50x64xf32, #tpu.memory_space<hbm>>
      tpu.wait_dma2 semaphore(%arg8 : memref<!tpu.dma_semaphore, #tpu.memory_space<semaphore_mem>>) src(%dma_wait3A_344 : memref<8x50x64xf32, #tpu.memory_space<hbm>>) dst(%arg6 : memref<8x50x64xf32, #tpu.memory_space<vmem>>)
      %mul3A_345 = arith.constant 2 : i32
      %mul3A_346 = arith.muli %mul3A_345, %scan3A_214 : i32
      %mul3A_347 = arith.constant 8 : i32
      %mul3A_348 = arith.muli %mul3A_346, %mul3A_347 : i32
      %add3A_349 = arith.addi %mul3A_2, %mul3A_348 : i32
      "tpu.region"() ({
        %run_scoped3A = tpu.sem_alloc : memref<!tpu.dma_semaphore, #tpu.memory_space<semaphore_mem>>
        %dma_start3A_487 = arith.constant 0 : i32
        %dma_start3A_488 = arith.constant 0 : i32
        %dma_start3A_489 = tpu.memref_slice %arg4[%add3A_349, %dma_start3A_487, %dma_start3A_488] : memref<4096x50x64xf32, #tpu.memory_space<hbm>> -> memref<8x50x64xf32, #tpu.memory_space<hbm>>
        %dma_start3A_490 = arith.constant 0 : i32
        %dma_start3A_491 = arith.constant 0 : i32
        %dma_start3A_492 = tpu.memref_slice %arg4[%add3A_349, %dma_start3A_490, %dma_start3A_491] : memref<4096x50x64xf32, #tpu.memory_space<hbm>> -> memref<8x50x64xf32, #tpu.memory_space<hbm>>
        tpu.enqueue_dma source(%arg6 : memref<8x50x64xf32, #tpu.memory_space<vmem>>) target(%dma_start3A_492 : memref<8x50x64xf32, #tpu.memory_space<hbm>>) target_semaphore(%run_scoped3A : memref<!tpu.dma_semaphore, #tpu.memory_space<semaphore_mem>>)
        %dma_wait3A_493 = arith.constant 0 : i32
        %dma_wait3A_494 = arith.constant 0 : i32
        %dma_wait3A_495 = tpu.memref_slice %arg4[%add3A_349, %dma_wait3A_493, %dma_wait3A_494] : memref<4096x50x64xf32, #tpu.memory_space<hbm>> -> memref<8x50x64xf32, #tpu.memory_space<hbm>>
        %dma_wait3A_496 = arith.constant 0 : i32
        %dma_wait3A_497 = arith.constant 0 : i32
        %dma_wait3A_498 = tpu.memref_slice %arg4[%add3A_349, %dma_wait3A_496, %dma_wait3A_497] : memref<4096x50x64xf32, #tpu.memory_space<hbm>> -> memref<8x50x64xf32, #tpu.memory_space<hbm>>
        tpu.wait_dma2 semaphore(%run_scoped3A : memref<!tpu.dma_semaphore, #tpu.memory_space<semaphore_mem>>) src(%arg6 : memref<8x50x64xf32, #tpu.memory_space<vmem>>) dst(%dma_wait3A_498 : memref<8x50x64xf32, #tpu.memory_space<hbm>>)
        tpu.yield
      }) : () -> ()
      %mul3A_350 = arith.constant 2 : i32
      %mul3A_351 = arith.muli %mul3A_350, %scan3A_214 : i32
      %add3A_352 = arith.constant 2 : i32
      %add3A_353 = arith.addi %mul3A_351, %add3A_352 : i32
      %mul3A_354 = arith.constant 8 : i32
      %mul3A_355 = arith.muli %add3A_353, %mul3A_354 : i32
      %add3A_356 = arith.constant 0 : i32
      %add3A_357 = arith.addi %mul3A_355, %add3A_356 : i32
      %dma_start3A_358 = arith.constant 0 : i32
      %dma_start3A_359 = arith.constant 0 : i32
      %dma_start3A_360 = arith.constant 0 : i32
      %dma_start3A_361 = tpu.memref_slice %arg6[%dma_start3A_358, %dma_start3A_359, %dma_start3A_360] : memref<8x50x64xf32, #tpu.memory_space<vmem>> -> memref<1x50x64xf32, #tpu.memory_space<vmem>>
      %dma_start3A_362 = tpu.memref_squeeze %dma_start3A_361 : memref<1x50x64xf32, #tpu.memory_space<vmem>> -> memref<50x64xf32, #tpu.memory_space<vmem>>
      %dma_start3A_363 = arith.constant 0 : i32
      %dma_start3A_364 = tpu.memref_slice %arg5[%add3A_357, %dma_start3A_363] : memref<128x50xi32, #tpu.memory_space<vmem>> -> memref<1x50xi32, #tpu.memory_space<vmem>>
      %dma_start3A_365 = tpu.memref_squeeze %dma_start3A_364 : memref<1x50xi32, #tpu.memory_space<vmem>> -> memref<50xi32, #tpu.memory_space<vmem>>
      %dma_start3A_366 = arith.constant 0 : i32
      %dma_start3A_367 = arith.constant 0 : i32
      %dma_start3A_368 = tpu.memref_slice %arg3[%dma_start3A_366, %dma_start3A_367] : memref<2000000x64xf32, #tpu.memory_space<hbm>> -> memref<2000000x64xf32, #tpu.memory_space<hbm>>
      tpu.enqueue_indirect_dma source(%dma_start3A_368 : memref<2000000x64xf32, #tpu.memory_space<hbm>>) target(%dma_start3A_362 : memref<50x64xf32, #tpu.memory_space<vmem>>) offsets(%dma_start3A_365 : memref<50xi32, #tpu.memory_space<vmem>>) semaphore(%arg8 : memref<!tpu.dma_semaphore, #tpu.memory_space<semaphore_mem>>)
      %mul3A_369 = arith.constant 8 : i32
      %mul3A_370 = arith.muli %add3A_353, %mul3A_369 : i32
      %add3A_371 = arith.constant 1 : i32
      %add3A_372 = arith.addi %mul3A_370, %add3A_371 : i32
      %dma_start3A_373 = arith.constant 1 : i32
      %dma_start3A_374 = arith.constant 0 : i32
      %dma_start3A_375 = arith.constant 0 : i32
      %dma_start3A_376 = tpu.memref_slice %arg6[%dma_start3A_373, %dma_start3A_374, %dma_start3A_375] : memref<8x50x64xf32, #tpu.memory_space<vmem>> -> memref<1x50x64xf32, #tpu.memory_space<vmem>>
      %dma_start3A_377 = tpu.memref_squeeze %dma_start3A_376 : memref<1x50x64xf32, #tpu.memory_space<vmem>> -> memref<50x64xf32, #tpu.memory_space<vmem>>
      %dma_start3A_378 = arith.constant 0 : i32
      %dma_start3A_379 = tpu.memref_slice %arg5[%add3A_372, %dma_start3A_378] : memref<128x50xi32, #tpu.memory_space<vmem>> -> memref<1x50xi32, #tpu.memory_space<vmem>>
      %dma_start3A_380 = tpu.memref_squeeze %dma_start3A_379 : memref<1x50xi32, #tpu.memory_space<vmem>> -> memref<50xi32, #tpu.memory_space<vmem>>
      %dma_start3A_381 = arith.constant 0 : i32
      %dma_start3A_382 = arith.constant 0 : i32
      %dma_start3A_383 = tpu.memref_slice %arg3[%dma_start3A_381, %dma_start3A_382] : memref<2000000x64xf32, #tpu.memory_space<hbm>> -> memref<2000000x64xf32, #tpu.memory_space<hbm>>
      tpu.enqueue_indirect_dma source(%dma_start3A_383 : memref<2000000x64xf32, #tpu.memory_space<hbm>>) target(%dma_start3A_377 : memref<50x64xf32, #tpu.memory_space<vmem>>) offsets(%dma_start3A_380 : memref<50xi32, #tpu.memory_space<vmem>>) semaphore(%arg8 : memref<!tpu.dma_semaphore, #tpu.memory_space<semaphore_mem>>)
      %mul3A_384 = arith.constant 8 : i32
      %mul3A_385 = arith.muli %add3A_353, %mul3A_384 : i32
      %add3A_386 = arith.constant 2 : i32
      %add3A_387 = arith.addi %mul3A_385, %add3A_386 : i32
      %dma_start3A_388 = arith.constant 2 : i32
      %dma_start3A_389 = arith.constant 0 : i32
      %dma_start3A_390 = arith.constant 0 : i32
      %dma_start3A_391 = tpu.memref_slice %arg6[%dma_start3A_388, %dma_start3A_389, %dma_start3A_390] : memref<8x50x64xf32, #tpu.memory_space<vmem>> -> memref<1x50x64xf32, #tpu.memory_space<vmem>>
      %dma_start3A_392 = tpu.memref_squeeze %dma_start3A_391 : memref<1x50x64xf32, #tpu.memory_space<vmem>> -> memref<50x64xf32, #tpu.memory_space<vmem>>
      %dma_start3A_393 = arith.constant 0 : i32
      %dma_start3A_394 = tpu.memref_slice %arg5[%add3A_387, %dma_start3A_393] : memref<128x50xi32, #tpu.memory_space<vmem>> -> memref<1x50xi32, #tpu.memory_space<vmem>>
      %dma_start3A_395 = tpu.memref_squeeze %dma_start3A_394 : memref<1x50xi32, #tpu.memory_space<vmem>> -> memref<50xi32, #tpu.memory_space<vmem>>
      %dma_start3A_396 = arith.constant 0 : i32
      %dma_start3A_397 = arith.constant 0 : i32
      %dma_start3A_398 = tpu.memref_slice %arg3[%dma_start3A_396, %dma_start3A_397] : memref<2000000x64xf32, #tpu.memory_space<hbm>> -> memref<2000000x64xf32, #tpu.memory_space<hbm>>
      tpu.enqueue_indirect_dma source(%dma_start3A_398 : memref<2000000x64xf32, #tpu.memory_space<hbm>>) target(%dma_start3A_392 : memref<50x64xf32, #tpu.memory_space<vmem>>) offsets(%dma_start3A_395 : memref<50xi32, #tpu.memory_space<vmem>>) semaphore(%arg8 : memref<!tpu.dma_semaphore, #tpu.memory_space<semaphore_mem>>)
      %mul3A_399 = arith.constant 8 : i32
      %mul3A_400 = arith.muli %add3A_353, %mul3A_399 : i32
      %add3A_401 = arith.constant 3 : i32
      %add3A_402 = arith.addi %mul3A_400, %add3A_401 : i32
      %dma_start3A_403 = arith.constant 3 : i32
      %dma_start3A_404 = arith.constant 0 : i32
      %dma_start3A_405 = arith.constant 0 : i32
      %dma_start3A_406 = tpu.memref_slice %arg6[%dma_start3A_403, %dma_start3A_404, %dma_start3A_405] : memref<8x50x64xf32, #tpu.memory_space<vmem>> -> memref<1x50x64xf32, #tpu.memory_space<vmem>>
      %dma_start3A_407 = tpu.memref_squeeze %dma_start3A_406 : memref<1x50x64xf32, #tpu.memory_space<vmem>> -> memref<50x64xf32, #tpu.memory_space<vmem>>
      %dma_start3A_408 = arith.constant 0 : i32
      %dma_start3A_409 = tpu.memref_slice %arg5[%add3A_402, %dma_start3A_408] : memref<128x50xi32, #tpu.memory_space<vmem>> -> memref<1x50xi32, #tpu.memory_space<vmem>>
      %dma_start3A_410 = tpu.memref_squeeze %dma_start3A_409 : memref<1x50xi32, #tpu.memory_space<vmem>> -> memref<50xi32, #tpu.memory_space<vmem>>
      %dma_start3A_411 = arith.constant 0 : i32
      %dma_start3A_412 = arith.constant 0 : i32
      %dma_start3A_413 = tpu.memref_slice %arg3[%dma_start3A_411, %dma_start3A_412] : memref<2000000x64xf32, #tpu.memory_space<hbm>> -> memref<2000000x64xf32, #tpu.memory_space<hbm>>
      tpu.enqueue_indirect_dma source(%dma_start3A_413 : memref<2000000x64xf32, #tpu.memory_space<hbm>>) target(%dma_start3A_407 : memref<50x64xf32, #tpu.memory_space<vmem>>) offsets(%dma_start3A_410 : memref<50xi32, #tpu.memory_space<vmem>>) semaphore(%arg8 : memref<!tpu.dma_semaphore, #tpu.memory_space<semaphore_mem>>)
      %mul3A_414 = arith.constant 8 : i32
      %mul3A_415 = arith.muli %add3A_353, %mul3A_414 : i32
      %add3A_416 = arith.constant 4 : i32
      %add3A_417 = arith.addi %mul3A_415, %add3A_416 : i32
      %dma_start3A_418 = arith.constant 4 : i32
      %dma_start3A_419 = arith.constant 0 : i32
      %dma_start3A_420 = arith.constant 0 : i32
      %dma_start3A_421 = tpu.memref_slice %arg6[%dma_start3A_418, %dma_start3A_419, %dma_start3A_420] : memref<8x50x64xf32, #tpu.memory_space<vmem>> -> memref<1x50x64xf32, #tpu.memory_space<vmem>>
      %dma_start3A_422 = tpu.memref_squeeze %dma_start3A_421 : memref<1x50x64xf32, #tpu.memory_space<vmem>> -> memref<50x64xf32, #tpu.memory_space<vmem>>
      %dma_start3A_423 = arith.constant 0 : i32
      %dma_start3A_424 = tpu.memref_slice %arg5[%add3A_417, %dma_start3A_423] : memref<128x50xi32, #tpu.memory_space<vmem>> -> memref<1x50xi32, #tpu.memory_space<vmem>>
      %dma_start3A_425 = tpu.memref_squeeze %dma_start3A_424 : memref<1x50xi32, #tpu.memory_space<vmem>> -> memref<50xi32, #tpu.memory_space<vmem>>
      %dma_start3A_426 = arith.constant 0 : i32
      %dma_start3A_427 = arith.constant 0 : i32
      %dma_start3A_428 = tpu.memref_slice %arg3[%dma_start3A_426, %dma_start3A_427] : memref<2000000x64xf32, #tpu.memory_space<hbm>> -> memref<2000000x64xf32, #tpu.memory_space<hbm>>
      tpu.enqueue_indirect_dma source(%dma_start3A_428 : memref<2000000x64xf32, #tpu.memory_space<hbm>>) target(%dma_start3A_422 : memref<50x64xf32, #tpu.memory_space<vmem>>) offsets(%dma_start3A_425 : memref<50xi32, #tpu.memory_space<vmem>>) semaphore(%arg8 : memref<!tpu.dma_semaphore, #tpu.memory_space<semaphore_mem>>)
      %mul3A_429 = arith.constant 8 : i32
      %mul3A_430 = arith.muli %add3A_353, %mul3A_429 : i32
      %add3A_431 = arith.constant 5 : i32
      %add3A_432 = arith.addi %mul3A_430, %add3A_431 : i32
      %dma_start3A_433 = arith.constant 5 : i32
      %dma_start3A_434 = arith.constant 0 : i32
      %dma_start3A_435 = arith.constant 0 : i32
      %dma_start3A_436 = tpu.memref_slice %arg6[%dma_start3A_433, %dma_start3A_434, %dma_start3A_435] : memref<8x50x64xf32, #tpu.memory_space<vmem>> -> memref<1x50x64xf32, #tpu.memory_space<vmem>>
      %dma_start3A_437 = tpu.memref_squeeze %dma_start3A_436 : memref<1x50x64xf32, #tpu.memory_space<vmem>> -> memref<50x64xf32, #tpu.memory_space<vmem>>
      %dma_start3A_438 = arith.constant 0 : i32
      %dma_start3A_439 = tpu.memref_slice %arg5[%add3A_432, %dma_start3A_438] : memref<128x50xi32, #tpu.memory_space<vmem>> -> memref<1x50xi32, #tpu.memory_space<vmem>>
      %dma_start3A_440 = tpu.memref_squeeze %dma_start3A_439 : memref<1x50xi32, #tpu.memory_space<vmem>> -> memref<50xi32, #tpu.memory_space<vmem>>
      %dma_start3A_441 = arith.constant 0 : i32
      %dma_start3A_442 = arith.constant 0 : i32
      %dma_start3A_443 = tpu.memref_slice %arg3[%dma_start3A_441, %dma_start3A_442] : memref<2000000x64xf32, #tpu.memory_space<hbm>> -> memref<2000000x64xf32, #tpu.memory_space<hbm>>
      tpu.enqueue_indirect_dma source(%dma_start3A_443 : memref<2000000x64xf32, #tpu.memory_space<hbm>>) target(%dma_start3A_437 : memref<50x64xf32, #tpu.memory_space<vmem>>) offsets(%dma_start3A_440 : memref<50xi32, #tpu.memory_space<vmem>>) semaphore(%arg8 : memref<!tpu.dma_semaphore, #tpu.memory_space<semaphore_mem>>)
      %mul3A_444 = arith.constant 8 : i32
      %mul3A_445 = arith.muli %add3A_353, %mul3A_444 : i32
      %add3A_446 = arith.constant 6 : i32
      %add3A_447 = arith.addi %mul3A_445, %add3A_446 : i32
      %dma_start3A_448 = arith.constant 6 : i32
      %dma_start3A_449 = arith.constant 0 : i32
      %dma_start3A_450 = arith.constant 0 : i32
      %dma_start3A_451 = tpu.memref_slice %arg6[%dma_start3A_448, %dma_start3A_449, %dma_start3A_450] : memref<8x50x64xf32, #tpu.memory_space<vmem>> -> memref<1x50x64xf32, #tpu.memory_space<vmem>>
      %dma_start3A_452 = tpu.memref_squeeze %dma_start3A_451 : memref<1x50x64xf32, #tpu.memory_space<vmem>> -> memref<50x64xf32, #tpu.memory_space<vmem>>
      %dma_start3A_453 = arith.constant 0 : i32
      %dma_start3A_454 = tpu.memref_slice %arg5[%add3A_447, %dma_start3A_453] : memref<128x50xi32, #tpu.memory_space<vmem>> -> memref<1x50xi32, #tpu.memory_space<vmem>>
      %dma_start3A_455 = tpu.memref_squeeze %dma_start3A_454 : memref<1x50xi32, #tpu.memory_space<vmem>> -> memref<50xi32, #tpu.memory_space<vmem>>
      %dma_start3A_456 = arith.constant 0 : i32
      %dma_start3A_457 = arith.constant 0 : i32
      %dma_start3A_458 = tpu.memref_slice %arg3[%dma_start3A_456, %dma_start3A_457] : memref<2000000x64xf32, #tpu.memory_space<hbm>> -> memref<2000000x64xf32, #tpu.memory_space<hbm>>
      tpu.enqueue_indirect_dma source(%dma_start3A_458 : memref<2000000x64xf32, #tpu.memory_space<hbm>>) target(%dma_start3A_452 : memref<50x64xf32, #tpu.memory_space<vmem>>) offsets(%dma_start3A_455 : memref<50xi32, #tpu.memory_space<vmem>>) semaphore(%arg8 : memref<!tpu.dma_semaphore, #tpu.memory_space<semaphore_mem>>)
      %mul3A_459 = arith.constant 8 : i32
      %mul3A_460 = arith.muli %add3A_353, %mul3A_459 : i32
      %add3A_461 = arith.constant 7 : i32
      %add3A_462 = arith.addi %mul3A_460, %add3A_461 : i32
      %dma_start3A_463 = arith.constant 7 : i32
      %dma_start3A_464 = arith.constant 0 : i32
      %dma_start3A_465 = arith.constant 0 : i32
      %dma_start3A_466 = tpu.memref_slice %arg6[%dma_start3A_463, %dma_start3A_464, %dma_start3A_465] : memref<8x50x64xf32, #tpu.memory_space<vmem>> -> memref<1x50x64xf32, #tpu.memory_space<vmem>>
      %dma_start3A_467 = tpu.memref_squeeze %dma_start3A_466 : memref<1x50x64xf32, #tpu.memory_space<vmem>> -> memref<50x64xf32, #tpu.memory_space<vmem>>
      %dma_start3A_468 = arith.constant 0 : i32
      %dma_start3A_469 = tpu.memref_slice %arg5[%add3A_462, %dma_start3A_468] : memref<128x50xi32, #tpu.memory_space<vmem>> -> memref<1x50xi32, #tpu.memory_space<vmem>>
      %dma_start3A_470 = tpu.memref_squeeze %dma_start3A_469 : memref<1x50xi32, #tpu.memory_space<vmem>> -> memref<50xi32, #tpu.memory_space<vmem>>
      %dma_start3A_471 = arith.constant 0 : i32
      %dma_start3A_472 = arith.constant 0 : i32
      %dma_start3A_473 = tpu.memref_slice %arg3[%dma_start3A_471, %dma_start3A_472] : memref<2000000x64xf32, #tpu.memory_space<hbm>> -> memref<2000000x64xf32, #tpu.memory_space<hbm>>
      tpu.enqueue_indirect_dma source(%dma_start3A_473 : memref<2000000x64xf32, #tpu.memory_space<hbm>>) target(%dma_start3A_467 : memref<50x64xf32, #tpu.memory_space<vmem>>) offsets(%dma_start3A_470 : memref<50xi32, #tpu.memory_space<vmem>>) semaphore(%arg8 : memref<!tpu.dma_semaphore, #tpu.memory_space<semaphore_mem>>)
      %dma_wait3A_474 = arith.constant 0 : i32
      %dma_wait3A_475 = arith.constant 0 : i32
      %dma_wait3A_476 = tpu.memref_slice %arg4[%mul3A_2, %dma_wait3A_474, %dma_wait3A_475] : memref<4096x50x64xf32, #tpu.memory_space<hbm>> -> memref<8x50x64xf32, #tpu.memory_space<hbm>>
      %dma_wait3A_477 = arith.constant 0 : i32
      %dma_wait3A_478 = arith.constant 0 : i32
      %dma_wait3A_479 = tpu.memref_slice %arg4[%mul3A_2, %dma_wait3A_477, %dma_wait3A_478] : memref<4096x50x64xf32, #tpu.memory_space<hbm>> -> memref<8x50x64xf32, #tpu.memory_space<hbm>>
      tpu.wait_dma2 semaphore(%arg9 : memref<!tpu.dma_semaphore, #tpu.memory_space<semaphore_mem>>) src(%dma_wait3A_479 : memref<8x50x64xf32, #tpu.memory_space<hbm>>) dst(%arg7 : memref<8x50x64xf32, #tpu.memory_space<vmem>>)
      %mul3A_480 = arith.constant 2 : i32
      %mul3A_481 = arith.muli %mul3A_480, %scan3A_214 : i32
      %add3A_482 = arith.constant 1 : i32
      %add3A_483 = arith.addi %mul3A_481, %add3A_482 : i32
      %mul3A_484 = arith.constant 8 : i32
      %mul3A_485 = arith.muli %add3A_483, %mul3A_484 : i32
      %add3A_486 = arith.addi %mul3A_2, %mul3A_485 : i32
      "tpu.region"() ({
        %run_scoped3A = tpu.sem_alloc : memref<!tpu.dma_semaphore, #tpu.memory_space<semaphore_mem>>
        %dma_start3A_487 = arith.constant 0 : i32
        %dma_start3A_488 = arith.constant 0 : i32
        %dma_start3A_489 = tpu.memref_slice %arg4[%add3A_486, %dma_start3A_487, %dma_start3A_488] : memref<4096x50x64xf32, #tpu.memory_space<hbm>> -> memref<8x50x64xf32, #tpu.memory_space<hbm>>
        %dma_start3A_490 = arith.constant 0 : i32
        %dma_start3A_491 = arith.constant 0 : i32
        %dma_start3A_492 = tpu.memref_slice %arg4[%add3A_486, %dma_start3A_490, %dma_start3A_491] : memref<4096x50x64xf32, #tpu.memory_space<hbm>> -> memref<8x50x64xf32, #tpu.memory_space<hbm>>
        tpu.enqueue_dma source(%arg7 : memref<8x50x64xf32, #tpu.memory_space<vmem>>) target(%dma_start3A_492 : memref<8x50x64xf32, #tpu.memory_space<hbm>>) target_semaphore(%run_scoped3A : memref<!tpu.dma_semaphore, #tpu.memory_space<semaphore_mem>>)
        %dma_wait3A_493 = arith.constant 0 : i32
        %dma_wait3A_494 = arith.constant 0 : i32
        %dma_wait3A_495 = tpu.memref_slice %arg4[%add3A_486, %dma_wait3A_493, %dma_wait3A_494] : memref<4096x50x64xf32, #tpu.memory_space<hbm>> -> memref<8x50x64xf32, #tpu.memory_space<hbm>>
        %dma_wait3A_496 = arith.constant 0 : i32
        %dma_wait3A_497 = arith.constant 0 : i32
        %dma_wait3A_498 = tpu.memref_slice %arg4[%add3A_486, %dma_wait3A_496, %dma_wait3A_497] : memref<4096x50x64xf32, #tpu.memory_space<hbm>> -> memref<8x50x64xf32, #tpu.memory_space<hbm>>
        tpu.wait_dma2 semaphore(%run_scoped3A : memref<!tpu.dma_semaphore, #tpu.memory_space<semaphore_mem>>) src(%arg7 : memref<8x50x64xf32, #tpu.memory_space<vmem>>) dst(%dma_wait3A_498 : memref<8x50x64xf32, #tpu.memory_space<hbm>>)
        tpu.yield
      }) : () -> ()
    }
    %scan3A_102 = arith.constant 7 : i32
    %dma_start3A_103 = arith.constant 120 : i32
    %dma_start3A_104 = arith.constant 0 : i32
    %dma_start3A_105 = arith.constant 0 : i32
    %dma_start3A_106 = arith.constant 0 : i32
    %dma_start3A_107 = tpu.memref_slice %arg7[%dma_start3A_104, %dma_start3A_105, %dma_start3A_106] : memref<8x50x64xf32, #tpu.memory_space<vmem>> -> memref<1x50x64xf32, #tpu.memory_space<vmem>>
    %dma_start3A_108 = tpu.memref_squeeze %dma_start3A_107 : memref<1x50x64xf32, #tpu.memory_space<vmem>> -> memref<50x64xf32, #tpu.memory_space<vmem>>
    %dma_start3A_109 = arith.constant 0 : i32
    %dma_start3A_110 = tpu.memref_slice %arg5[%dma_start3A_103, %dma_start3A_109] : memref<128x50xi32, #tpu.memory_space<vmem>> -> memref<1x50xi32, #tpu.memory_space<vmem>>
    %dma_start3A_111 = tpu.memref_squeeze %dma_start3A_110 : memref<1x50xi32, #tpu.memory_space<vmem>> -> memref<50xi32, #tpu.memory_space<vmem>>
    %dma_start3A_112 = arith.constant 0 : i32
    %dma_start3A_113 = arith.constant 0 : i32
    %dma_start3A_114 = tpu.memref_slice %arg3[%dma_start3A_112, %dma_start3A_113] : memref<2000000x64xf32, #tpu.memory_space<hbm>> -> memref<2000000x64xf32, #tpu.memory_space<hbm>>
    tpu.enqueue_indirect_dma source(%dma_start3A_114 : memref<2000000x64xf32, #tpu.memory_space<hbm>>) target(%dma_start3A_108 : memref<50x64xf32, #tpu.memory_space<vmem>>) offsets(%dma_start3A_111 : memref<50xi32, #tpu.memory_space<vmem>>) semaphore(%arg9 : memref<!tpu.dma_semaphore, #tpu.memory_space<semaphore_mem>>)
    %dma_start3A_115 = arith.constant 121 : i32
    %dma_start3A_116 = arith.constant 1 : i32
    %dma_start3A_117 = arith.constant 0 : i32
    %dma_start3A_118 = arith.constant 0 : i32
    %dma_start3A_119 = tpu.memref_slice %arg7[%dma_start3A_116, %dma_start3A_117, %dma_start3A_118] : memref<8x50x64xf32, #tpu.memory_space<vmem>> -> memref<1x50x64xf32, #tpu.memory_space<vmem>>
    %dma_start3A_120 = tpu.memref_squeeze %dma_start3A_119 : memref<1x50x64xf32, #tpu.memory_space<vmem>> -> memref<50x64xf32, #tpu.memory_space<vmem>>
    %dma_start3A_121 = arith.constant 0 : i32
    %dma_start3A_122 = tpu.memref_slice %arg5[%dma_start3A_115, %dma_start3A_121] : memref<128x50xi32, #tpu.memory_space<vmem>> -> memref<1x50xi32, #tpu.memory_space<vmem>>
    %dma_start3A_123 = tpu.memref_squeeze %dma_start3A_122 : memref<1x50xi32, #tpu.memory_space<vmem>> -> memref<50xi32, #tpu.memory_space<vmem>>
    %dma_start3A_124 = arith.constant 0 : i32
    %dma_start3A_125 = arith.constant 0 : i32
    %dma_start3A_126 = tpu.memref_slice %arg3[%dma_start3A_124, %dma_start3A_125] : memref<2000000x64xf32, #tpu.memory_space<hbm>> -> memref<2000000x64xf32, #tpu.memory_space<hbm>>
    tpu.enqueue_indirect_dma source(%dma_start3A_126 : memref<2000000x64xf32, #tpu.memory_space<hbm>>) target(%dma_start3A_120 : memref<50x64xf32, #tpu.memory_space<vmem>>) offsets(%dma_start3A_123 : memref<50xi32, #tpu.memory_space<vmem>>) semaphore(%arg9 : memref<!tpu.dma_semaphore, #tpu.memory_space<semaphore_mem>>)
    %dma_start3A_127 = arith.constant 122 : i32
    %dma_start3A_128 = arith.constant 2 : i32
    %dma_start3A_129 = arith.constant 0 : i32
    %dma_start3A_130 = arith.constant 0 : i32
    %dma_start3A_131 = tpu.memref_slice %arg7[%dma_start3A_128, %dma_start3A_129, %dma_start3A_130] : memref<8x50x64xf32, #tpu.memory_space<vmem>> -> memref<1x50x64xf32, #tpu.memory_space<vmem>>
    %dma_start3A_132 = tpu.memref_squeeze %dma_start3A_131 : memref<1x50x64xf32, #tpu.memory_space<vmem>> -> memref<50x64xf32, #tpu.memory_space<vmem>>
    %dma_start3A_133 = arith.constant 0 : i32
    %dma_start3A_134 = tpu.memref_slice %arg5[%dma_start3A_127, %dma_start3A_133] : memref<128x50xi32, #tpu.memory_space<vmem>> -> memref<1x50xi32, #tpu.memory_space<vmem>>
    %dma_start3A_135 = tpu.memref_squeeze %dma_start3A_134 : memref<1x50xi32, #tpu.memory_space<vmem>> -> memref<50xi32, #tpu.memory_space<vmem>>
    %dma_start3A_136 = arith.constant 0 : i32
    %dma_start3A_137 = arith.constant 0 : i32
    %dma_start3A_138 = tpu.memref_slice %arg3[%dma_start3A_136, %dma_start3A_137] : memref<2000000x64xf32, #tpu.memory_space<hbm>> -> memref<2000000x64xf32, #tpu.memory_space<hbm>>
    tpu.enqueue_indirect_dma source(%dma_start3A_138 : memref<2000000x64xf32, #tpu.memory_space<hbm>>) target(%dma_start3A_132 : memref<50x64xf32, #tpu.memory_space<vmem>>) offsets(%dma_start3A_135 : memref<50xi32, #tpu.memory_space<vmem>>) semaphore(%arg9 : memref<!tpu.dma_semaphore, #tpu.memory_space<semaphore_mem>>)
    %dma_start3A_139 = arith.constant 123 : i32
    %dma_start3A_140 = arith.constant 3 : i32
    %dma_start3A_141 = arith.constant 0 : i32
    %dma_start3A_142 = arith.constant 0 : i32
    %dma_start3A_143 = tpu.memref_slice %arg7[%dma_start3A_140, %dma_start3A_141, %dma_start3A_142] : memref<8x50x64xf32, #tpu.memory_space<vmem>> -> memref<1x50x64xf32, #tpu.memory_space<vmem>>
    %dma_start3A_144 = tpu.memref_squeeze %dma_start3A_143 : memref<1x50x64xf32, #tpu.memory_space<vmem>> -> memref<50x64xf32, #tpu.memory_space<vmem>>
    %dma_start3A_145 = arith.constant 0 : i32
    %dma_start3A_146 = tpu.memref_slice %arg5[%dma_start3A_139, %dma_start3A_145] : memref<128x50xi32, #tpu.memory_space<vmem>> -> memref<1x50xi32, #tpu.memory_space<vmem>>
    %dma_start3A_147 = tpu.memref_squeeze %dma_start3A_146 : memref<1x50xi32, #tpu.memory_space<vmem>> -> memref<50xi32, #tpu.memory_space<vmem>>
    %dma_start3A_148 = arith.constant 0 : i32
    %dma_start3A_149 = arith.constant 0 : i32
    %dma_start3A_150 = tpu.memref_slice %arg3[%dma_start3A_148, %dma_start3A_149] : memref<2000000x64xf32, #tpu.memory_space<hbm>> -> memref<2000000x64xf32, #tpu.memory_space<hbm>>
    tpu.enqueue_indirect_dma source(%dma_start3A_150 : memref<2000000x64xf32, #tpu.memory_space<hbm>>) target(%dma_start3A_144 : memref<50x64xf32, #tpu.memory_space<vmem>>) offsets(%dma_start3A_147 : memref<50xi32, #tpu.memory_space<vmem>>) semaphore(%arg9 : memref<!tpu.dma_semaphore, #tpu.memory_space<semaphore_mem>>)
    %dma_start3A_151 = arith.constant 124 : i32
    %dma_start3A_152 = arith.constant 4 : i32
    %dma_start3A_153 = arith.constant 0 : i32
    %dma_start3A_154 = arith.constant 0 : i32
    %dma_start3A_155 = tpu.memref_slice %arg7[%dma_start3A_152, %dma_start3A_153, %dma_start3A_154] : memref<8x50x64xf32, #tpu.memory_space<vmem>> -> memref<1x50x64xf32, #tpu.memory_space<vmem>>
    %dma_start3A_156 = tpu.memref_squeeze %dma_start3A_155 : memref<1x50x64xf32, #tpu.memory_space<vmem>> -> memref<50x64xf32, #tpu.memory_space<vmem>>
    %dma_start3A_157 = arith.constant 0 : i32
    %dma_start3A_158 = tpu.memref_slice %arg5[%dma_start3A_151, %dma_start3A_157] : memref<128x50xi32, #tpu.memory_space<vmem>> -> memref<1x50xi32, #tpu.memory_space<vmem>>
    %dma_start3A_159 = tpu.memref_squeeze %dma_start3A_158 : memref<1x50xi32, #tpu.memory_space<vmem>> -> memref<50xi32, #tpu.memory_space<vmem>>
    %dma_start3A_160 = arith.constant 0 : i32
    %dma_start3A_161 = arith.constant 0 : i32
    %dma_start3A_162 = tpu.memref_slice %arg3[%dma_start3A_160, %dma_start3A_161] : memref<2000000x64xf32, #tpu.memory_space<hbm>> -> memref<2000000x64xf32, #tpu.memory_space<hbm>>
    tpu.enqueue_indirect_dma source(%dma_start3A_162 : memref<2000000x64xf32, #tpu.memory_space<hbm>>) target(%dma_start3A_156 : memref<50x64xf32, #tpu.memory_space<vmem>>) offsets(%dma_start3A_159 : memref<50xi32, #tpu.memory_space<vmem>>) semaphore(%arg9 : memref<!tpu.dma_semaphore, #tpu.memory_space<semaphore_mem>>)
    %dma_start3A_163 = arith.constant 125 : i32
    %dma_start3A_164 = arith.constant 5 : i32
    %dma_start3A_165 = arith.constant 0 : i32
    %dma_start3A_166 = arith.constant 0 : i32
    %dma_start3A_167 = tpu.memref_slice %arg7[%dma_start3A_164, %dma_start3A_165, %dma_start3A_166] : memref<8x50x64xf32, #tpu.memory_space<vmem>> -> memref<1x50x64xf32, #tpu.memory_space<vmem>>
    %dma_start3A_168 = tpu.memref_squeeze %dma_start3A_167 : memref<1x50x64xf32, #tpu.memory_space<vmem>> -> memref<50x64xf32, #tpu.memory_space<vmem>>
    %dma_start3A_169 = arith.constant 0 : i32
    %dma_start3A_170 = tpu.memref_slice %arg5[%dma_start3A_163, %dma_start3A_169] : memref<128x50xi32, #tpu.memory_space<vmem>> -> memref<1x50xi32, #tpu.memory_space<vmem>>
    %dma_start3A_171 = tpu.memref_squeeze %dma_start3A_170 : memref<1x50xi32, #tpu.memory_space<vmem>> -> memref<50xi32, #tpu.memory_space<vmem>>
    %dma_start3A_172 = arith.constant 0 : i32
    %dma_start3A_173 = arith.constant 0 : i32
    %dma_start3A_174 = tpu.memref_slice %arg3[%dma_start3A_172, %dma_start3A_173] : memref<2000000x64xf32, #tpu.memory_space<hbm>> -> memref<2000000x64xf32, #tpu.memory_space<hbm>>
    tpu.enqueue_indirect_dma source(%dma_start3A_174 : memref<2000000x64xf32, #tpu.memory_space<hbm>>) target(%dma_start3A_168 : memref<50x64xf32, #tpu.memory_space<vmem>>) offsets(%dma_start3A_171 : memref<50xi32, #tpu.memory_space<vmem>>) semaphore(%arg9 : memref<!tpu.dma_semaphore, #tpu.memory_space<semaphore_mem>>)
    %dma_start3A_175 = arith.constant 126 : i32
    %dma_start3A_176 = arith.constant 6 : i32
    %dma_start3A_177 = arith.constant 0 : i32
    %dma_start3A_178 = arith.constant 0 : i32
    %dma_start3A_179 = tpu.memref_slice %arg7[%dma_start3A_176, %dma_start3A_177, %dma_start3A_178] : memref<8x50x64xf32, #tpu.memory_space<vmem>> -> memref<1x50x64xf32, #tpu.memory_space<vmem>>
    %dma_start3A_180 = tpu.memref_squeeze %dma_start3A_179 : memref<1x50x64xf32, #tpu.memory_space<vmem>> -> memref<50x64xf32, #tpu.memory_space<vmem>>
    %dma_start3A_181 = arith.constant 0 : i32
    %dma_start3A_182 = tpu.memref_slice %arg5[%dma_start3A_175, %dma_start3A_181] : memref<128x50xi32, #tpu.memory_space<vmem>> -> memref<1x50xi32, #tpu.memory_space<vmem>>
    %dma_start3A_183 = tpu.memref_squeeze %dma_start3A_182 : memref<1x50xi32, #tpu.memory_space<vmem>> -> memref<50xi32, #tpu.memory_space<vmem>>
    %dma_start3A_184 = arith.constant 0 : i32
    %dma_start3A_185 = arith.constant 0 : i32
    %dma_start3A_186 = tpu.memref_slice %arg3[%dma_start3A_184, %dma_start3A_185] : memref<2000000x64xf32, #tpu.memory_space<hbm>> -> memref<2000000x64xf32, #tpu.memory_space<hbm>>
    tpu.enqueue_indirect_dma source(%dma_start3A_186 : memref<2000000x64xf32, #tpu.memory_space<hbm>>) target(%dma_start3A_180 : memref<50x64xf32, #tpu.memory_space<vmem>>) offsets(%dma_start3A_183 : memref<50xi32, #tpu.memory_space<vmem>>) semaphore(%arg9 : memref<!tpu.dma_semaphore, #tpu.memory_space<semaphore_mem>>)
    %dma_start3A_187 = arith.constant 127 : i32
    %dma_start3A_188 = arith.constant 7 : i32
    %dma_start3A_189 = arith.constant 0 : i32
    %dma_start3A_190 = arith.constant 0 : i32
    %dma_start3A_191 = tpu.memref_slice %arg7[%dma_start3A_188, %dma_start3A_189, %dma_start3A_190] : memref<8x50x64xf32, #tpu.memory_space<vmem>> -> memref<1x50x64xf32, #tpu.memory_space<vmem>>
    %dma_start3A_192 = tpu.memref_squeeze %dma_start3A_191 : memref<1x50x64xf32, #tpu.memory_space<vmem>> -> memref<50x64xf32, #tpu.memory_space<vmem>>
    %dma_start3A_193 = arith.constant 0 : i32
    %dma_start3A_194 = tpu.memref_slice %arg5[%dma_start3A_187, %dma_start3A_193] : memref<128x50xi32, #tpu.memory_space<vmem>> -> memref<1x50xi32, #tpu.memory_space<vmem>>
    %dma_start3A_195 = tpu.memref_squeeze %dma_start3A_194 : memref<1x50xi32, #tpu.memory_space<vmem>> -> memref<50xi32, #tpu.memory_space<vmem>>
    %dma_start3A_196 = arith.constant 0 : i32
    %dma_start3A_197 = arith.constant 0 : i32
    %dma_start3A_198 = tpu.memref_slice %arg3[%dma_start3A_196, %dma_start3A_197] : memref<2000000x64xf32, #tpu.memory_space<hbm>> -> memref<2000000x64xf32, #tpu.memory_space<hbm>>
    tpu.enqueue_indirect_dma source(%dma_start3A_198 : memref<2000000x64xf32, #tpu.memory_space<hbm>>) target(%dma_start3A_192 : memref<50x64xf32, #tpu.memory_space<vmem>>) offsets(%dma_start3A_195 : memref<50xi32, #tpu.memory_space<vmem>>) semaphore(%arg9 : memref<!tpu.dma_semaphore, #tpu.memory_space<semaphore_mem>>)
    %dma_wait3A = arith.constant 0 : i32
    %dma_wait3A_199 = arith.constant 0 : i32
    %dma_wait3A_200 = tpu.memref_slice %arg4[%mul3A_2, %dma_wait3A, %dma_wait3A_199] : memref<4096x50x64xf32, #tpu.memory_space<hbm>> -> memref<8x50x64xf32, #tpu.memory_space<hbm>>
    %dma_wait3A_201 = arith.constant 0 : i32
    %dma_wait3A_202 = arith.constant 0 : i32
    %dma_wait3A_203 = tpu.memref_slice %arg4[%mul3A_2, %dma_wait3A_201, %dma_wait3A_202] : memref<4096x50x64xf32, #tpu.memory_space<hbm>> -> memref<8x50x64xf32, #tpu.memory_space<hbm>>
    tpu.wait_dma2 semaphore(%arg8 : memref<!tpu.dma_semaphore, #tpu.memory_space<semaphore_mem>>) src(%dma_wait3A_203 : memref<8x50x64xf32, #tpu.memory_space<hbm>>) dst(%arg6 : memref<8x50x64xf32, #tpu.memory_space<vmem>>)
    %add3A_204 = arith.constant 112 : i32
    %add3A_205 = arith.addi %mul3A_2, %add3A_204 : i32
    "tpu.region"() ({
      %run_scoped3A = tpu.sem_alloc : memref<!tpu.dma_semaphore, #tpu.memory_space<semaphore_mem>>
      %dma_start3A_214 = arith.constant 0 : i32
      %dma_start3A_215 = arith.constant 0 : i32
      %dma_start3A_216 = tpu.memref_slice %arg4[%add3A_205, %dma_start3A_214, %dma_start3A_215] : memref<4096x50x64xf32, #tpu.memory_space<hbm>> -> memref<8x50x64xf32, #tpu.memory_space<hbm>>
      %dma_start3A_217 = arith.constant 0 : i32
      %dma_start3A_218 = arith.constant 0 : i32
      %dma_start3A_219 = tpu.memref_slice %arg4[%add3A_205, %dma_start3A_217, %dma_start3A_218] : memref<4096x50x64xf32, #tpu.memory_space<hbm>> -> memref<8x50x64xf32, #tpu.memory_space<hbm>>
      tpu.enqueue_dma source(%arg6 : memref<8x50x64xf32, #tpu.memory_space<vmem>>) target(%dma_start3A_219 : memref<8x50x64xf32, #tpu.memory_space<hbm>>) target_semaphore(%run_scoped3A : memref<!tpu.dma_semaphore, #tpu.memory_space<semaphore_mem>>)
      %dma_wait3A_220 = arith.constant 0 : i32
      %dma_wait3A_221 = arith.constant 0 : i32
      %dma_wait3A_222 = tpu.memref_slice %arg4[%add3A_205, %dma_wait3A_220, %dma_wait3A_221] : memref<4096x50x64xf32, #tpu.memory_space<hbm>> -> memref<8x50x64xf32, #tpu.memory_space<hbm>>
      %dma_wait3A_223 = arith.constant 0 : i32
      %dma_wait3A_224 = arith.constant 0 : i32
      %dma_wait3A_225 = tpu.memref_slice %arg4[%add3A_205, %dma_wait3A_223, %dma_wait3A_224] : memref<4096x50x64xf32, #tpu.memory_space<hbm>> -> memref<8x50x64xf32, #tpu.memory_space<hbm>>
      tpu.wait_dma2 semaphore(%run_scoped3A : memref<!tpu.dma_semaphore, #tpu.memory_space<semaphore_mem>>) src(%arg6 : memref<8x50x64xf32, #tpu.memory_space<vmem>>) dst(%dma_wait3A_225 : memref<8x50x64xf32, #tpu.memory_space<hbm>>)
      tpu.yield
    }) : () -> ()
    %dma_wait3A_206 = arith.constant 0 : i32
    %dma_wait3A_207 = arith.constant 0 : i32
    %dma_wait3A_208 = tpu.memref_slice %arg4[%mul3A_2, %dma_wait3A_206, %dma_wait3A_207] : memref<4096x50x64xf32, #tpu.memory_space<hbm>> -> memref<8x50x64xf32, #tpu.memory_space<hbm>>
    %dma_wait3A_209 = arith.constant 0 : i32
    %dma_wait3A_210 = arith.constant 0 : i32
    %dma_wait3A_211 = tpu.memref_slice %arg4[%mul3A_2, %dma_wait3A_209, %dma_wait3A_210] : memref<4096x50x64xf32, #tpu.memory_space<hbm>> -> memref<8x50x64xf32, #tpu.memory_space<hbm>>
    tpu.wait_dma2 semaphore(%arg9 : memref<!tpu.dma_semaphore, #tpu.memory_space<semaphore_mem>>) src(%dma_wait3A_211 : memref<8x50x64xf32, #tpu.memory_space<hbm>>) dst(%arg7 : memref<8x50x64xf32, #tpu.memory_space<vmem>>)
    %add3A_212 = arith.constant 120 : i32
    %add3A_213 = arith.addi %mul3A_2, %add3A_212 : i32
    "tpu.region"() ({
      %run_scoped3A = tpu.sem_alloc : memref<!tpu.dma_semaphore, #tpu.memory_space<semaphore_mem>>
      %dma_start3A_214 = arith.constant 0 : i32
      %dma_start3A_215 = arith.constant 0 : i32
      %dma_start3A_216 = tpu.memref_slice %arg4[%add3A_213, %dma_start3A_214, %dma_start3A_215] : memref<4096x50x64xf32, #tpu.memory_space<hbm>> -> memref<8x50x64xf32, #tpu.memory_space<hbm>>
      %dma_start3A_217 = arith.constant 0 : i32
      %dma_start3A_218 = arith.constant 0 : i32
      %dma_start3A_219 = tpu.memref_slice %arg4[%add3A_213, %dma_start3A_217, %dma_start3A_218] : memref<4096x50x64xf32, #tpu.memory_space<hbm>> -> memref<8x50x64xf32, #tpu.memory_space<hbm>>
      tpu.enqueue_dma source(%arg7 : memref<8x50x64xf32, #tpu.memory_space<vmem>>) target(%dma_start3A_219 : memref<8x50x64xf32, #tpu.memory_space<hbm>>) target_semaphore(%run_scoped3A : memref<!tpu.dma_semaphore, #tpu.memory_space<semaphore_mem>>)
      %dma_wait3A_220 = arith.constant 0 : i32
      %dma_wait3A_221 = arith.constant 0 : i32
      %dma_wait3A_222 = tpu.memref_slice %arg4[%add3A_213, %dma_wait3A_220, %dma_wait3A_221] : memref<4096x50x64xf32, #tpu.memory_space<hbm>> -> memref<8x50x64xf32, #tpu.memory_space<hbm>>
      %dma_wait3A_223 = arith.constant 0 : i32
      %dma_wait3A_224 = arith.constant 0 : i32
      %dma_wait3A_225 = tpu.memref_slice %arg4[%add3A_213, %dma_wait3A_223, %dma_wait3A_224] : memref<4096x50x64xf32, #tpu.memory_space<hbm>> -> memref<8x50x64xf32, #tpu.memory_space<hbm>>
      tpu.wait_dma2 semaphore(%run_scoped3A : memref<!tpu.dma_semaphore, #tpu.memory_space<semaphore_mem>>) src(%arg7 : memref<8x50x64xf32, #tpu.memory_space<vmem>>) dst(%dma_wait3A_225 : memref<8x50x64xf32, #tpu.memory_space<hbm>>)
      tpu.yield
    }) : () -> ()
    return
  }
}

</mosaic_0001>

<sc_bundles>
// kernel: kernel.3.cloned.1.call-start
scs
__scs_entry_jumppad:
0x0: {  	(pc) =	sbr.rel $0x88, $3  }
0x1: {  	(tag) =	ssettag $0x0;
	lr =	simm.s32 $0x1  }
0x2: {  	[smem:$0x3F9F] =	sst lr;
	_ =	strace $0xD0000000  }
0x3: {  	_ = 	snop  }
0x4: {  	_ = 	snop  }
0x5: {  	_ = 	snop  }
0x6: {  	_ = 	snop  }
0x7: {  	_ = 	snop  }
__scs_overlays_trampoline_lowered:
0x8: {  	[smem:$0x3FAE] =	sst s0  }
0x9: {  	[smem:$0x3FAF] =	sst s1  }
0xa: {  	[smem:$0x3FB0] =	sst s2  }
0xb: {  	[smem:$0x3FB1] =	sst s3  }
0xc: {  	[smem:$0x3FB2] =	sst s4  }
0xd: {  	[smem:$0x3FB3] =	sst s5  }
0xe: {  	[smem:$0x3FB4] =	sst s6  }
0xf: {  	[smem:$0x3FB5] =	sst s7  }
0x10: {  	[smem:$0x3FB6] =	sst s8  }
0x11: {  	[smem:$0x3FB7] =	sst s9;
	s0 =	simm.s32 @!p0 $0x0  }
0x12: {  	s1 =	sld [smem:$0x3F9D];
	s0 =	simm.s32 @p0 $0x1  }
0x13: {  	[smem:$0x3FB8] =	sst s0;
	s0 =	simm.s32 @!p1 $0x0  }
0x14: {  	s2 =	sld [smem:$0x3F9C];
	s0 =	simm.s32 @p1 $0x1  }
0x15: {  	[smem:$0x3FB9] =	sst s0;
	s0 =	simm.s32 @!p2 $0x0  }
0x16: {  	s3 =	sld [smem:$0x3FDB];
	s0 =	simm.s32 @p2 $0x1  }
0x17: {  	s4 =	simm.s32 $0x1BF5;
	[smem:$0x3FBB] =	sst s0  }
0x18: {  	s0 =	sld [smem:$0x3F9E];
	_ =	swait.ge [sflag:s4], $0x0  }
0x19: {  	s7 =	sld [smem:$0x3F9F]  }
0x1a: {  	s8 =	sadd.s32 $0xFFFFE003, lr  }
0x1b: {  	s9 =	sadd.s32 $0xFFFFFEF7, lr;
	s5 =	simm.s32 $0xFFFFFFFF;
	p2 =	slt.u32 s8, $0xFFFFF086  }
0x1c: {  	p1 =	slt.u32 s9, $0xF7A;
	s5 =	simm.s32 @!p2 $0x0  }
0x1d: {  	s5 =	simm.s32 @p1 $0x1;
	p0 =	seq.s32 s7, s2  }
0x1e: {  	s7 =	smul.u32 @!p0 $0xF7A, s2;
	p2 =	seq.s32 @!p0 s5, $0x0  }
0x1f: {  	s9 =	smul.u32 $0xF7A, s1;
	s8 =	simm.s32 @!p0 $0x1BF5;
	p2 =	por !p2, p0  }
0x20: {  	[sflag:s8] =	ssyncset.s32 @!p0 $0xFFFFF086;
	s6 =	sadd.s32 @!p0 s3, s7;
	s7 =	simm.s32 @!p0 $0x108  }
0x21: {  	s3 =	sadd.s32 s3, s9;
	s6 =	sadd.s32 @!p0 $0x88, s6;
	s7 =	simm.s32 @p2 $0x1082  }
0x22: {  	[simem:s7], [sflag:s8] =	dma.local @!p0 [hbm:s6], $0xF7A  }
0x23: {  	s9 =	sor.u32 $0xD0000000, s2;
	s6 =	simm.s32 $0x108;
	_ =	swait.ge @!p0 [sflag:s8], $0x0  }
0x24: {  	s3 =	sadd.s32 $0x88, s3;
	s6 =	simm.s32 @!p1 $0x1082;
	[sflag:s4] =	ssyncset.s32 $0xFFFFF086  }
0x25: {  	[simem:s6], [sflag:s4] =	dma.local [hbm:s3], $0xF7A  }
0x26: {  	[smem:$0x3F9F] =	sst s1;
	(tag) =	ssettag s2;
	_ =	strace s9  }
0x27: {  	s1 =	sld [smem:$0x3FAF]  }
0x28: {  	s2 =	sld [smem:$0x3FB0]  }
0x29: {  	s4 =	sld [smem:$0x3FB2]  }
0x2a: {  	p0 =	seq.s32 s5, $0x0;
	s5 =	sld [smem:$0x3FB3]  }
0x2b: {  	s6 =	sld [smem:$0x3FB4]  }
0x2c: {  	s7 =	sld [smem:$0x3FB5]  }
0x2d: {  	s3 =	simm.s32 $0x108;
	s8 =	sld [smem:$0x3FB6]  }
0x2e: {  	s3 =	simm.s32 @!p0 $0x1082;
	s9 =	sld [smem:$0x3FB7]  }
0x2f: {  	lr =	sadd.s32 s0, s3;
	s0 =	sld [smem:$0x3FAE]  }
0x30: {  	s3 =	sld [smem:$0x3FB1]  }
0x31: {  	[smem:$0x3FBA] =	sst s10  }
0x32: {  	s10 =	sld [smem:$0x3FB8];
	_ =	sdelay $0x3  }
0x33: {  	p0 =	seq.s32 s10, $0x1;
	s10 =	sld [smem:$0x3FBA];
	_ =	sdelay $0x3  }
0x34: {  	[smem:$0x3FBA] =	sst s10  }
0x35: {  	s10 =	sld [smem:$0x3FB9];
	_ =	sdelay $0x3  }
0x36: {  	p1 =	seq.s32 s10, $0x1;
	s10 =	sld [smem:$0x3FBA];
	_ =	sdelay $0x3  }
0x37: {  	[smem:$0x3FBA] =	sst s10  }
0x38: {  	s10 =	sld [smem:$0x3FBB]  }
0x39: {  	_ = 	snop;
	(pc) =	sbr.ind lr, $3  }
0x3a: {  	_ = 	snop  }
0x3b: {  	_ = 	snop  }
0x3c: {  	p2 =	seq.s32 s10, $0x1;
	s10 =	sld [smem:$0x3FBA]  }
0x3d: {  	_ =	shalt  }
0x3e: {  	_ =	shalt  }
0x3f: {  	_ =	shalt  }
0x40: {  	_ =	shalt  }
0x41: {  	_ =	shalt  }
0x42: {  	_ =	shalt  }
0x43: {  	_ =	shalt  }
0x44: {  	_ =	shalt  }
0x45: {  	_ =	shalt  }
0x46: {  	_ =	shalt  }
0x47: {  	_ =	shalt  }
0x48: {  	_ =	shalt  }
0x49: {  	_ =	shalt  }
0x4a: {  	_ =	shalt  }
0x4b: {  	_ =	shalt  }
0x4c: {  	_ =	shalt  }
0x4d: {  	_ =	shalt  }
0x4e: {  	_ =	shalt  }
0x4f: {  	_ =	shalt  }
0x50: {  	_ =	shalt  }
0x51: {  	_ =	shalt  }
0x52: {  	_ =	shalt  }
0x53: {  	_ =	shalt  }
0x54: {  	_ =	shalt  }
0x55: {  	_ =	shalt  }
0x56: {  	_ =	shalt  }
0x57: {  	_ =	shalt  }
0x58: {  	_ =	shalt  }
0x59: {  	_ =	shalt  }
0x5a: {  	_ =	shalt  }
0x5b: {  	_ =	shalt  }
0x5c: {  	_ =	shalt  }
0x5d: {  	_ =	shalt  }
0x5e: {  	_ =	shalt  }
0x5f: {  	_ =	shalt  }
0x60: {  	_ =	shalt  }
0x61: {  	_ =	shalt  }
0x62: {  	_ =	shalt  }
0x63: {  	_ =	shalt  }
0x64: {  	_ =	shalt  }
0x65: {  	_ =	shalt  }
0x66: {  	_ =	shalt  }
0x67: {  	_ =	shalt  }
0x68: {  	_ =	shalt  }
0x69: {  	_ =	shalt  }
0x6a: {  	_ =	shalt  }
0x6b: {  	_ =	shalt  }
0x6c: {  	_ =	shalt  }
0x6d: {  	_ =	shalt  }
0x6e: {  	_ =	shalt  }
0x6f: {  	_ =	shalt  }
0x70: {  	_ =	shalt  }
0x71: {  	_ =	shalt  }
0x72: {  	_ =	shalt  }
0x73: {  	_ =	shalt  }
0x74: {  	_ =	shalt  }
0x75: {  	_ =	shalt  }
0x76: {  	_ =	shalt  }
0x77: {  	_ =	shalt  }
0x78: {  	_ =	shalt  }
0x79: {  	_ =	shalt  }
0x7a: {  	_ =	shalt  }
0x7b: {  	_ =	shalt  }
0x7c: {  	_ =	shalt  }
0x7d: {  	_ =	shalt  }
0x7e: {  	_ =	shalt  }
0x7f: {  	_ =	shalt  }
0x80: {  	_ =	shalt  }
0x81: {  	_ =	shalt  }
0x82: {  	_ =	shalt  }
0x83: {  	_ =	shalt  }
0x84: {  	_ =	shalt  }
0x85: {  	_ =	shalt  }
0x86: {  	_ =	shalt  }
0x87: {  	_ =	shalt  }
.Lfunc_end0:
.L_simem_size_0:
called_computation.2_lowered:
.L_overlay_start_0:
0x88: {  	s2 =	sld [smem:$0x3FD9]  }
0x89: {  	s3 =	sld [smem:$0x3FFE];
	_ =	sdelay $0x1  }
0x8a: {  	s1 =	srdreg.scid  }
0x8b: {  	s0 =	sand.u32 $0x1, s1  }
0x8c: {  	s17 =	sshll.u32 s0, $0xA;
	s2 =	sadd.s32 s3, s2  }
0x8d: {  	s2 =	sadd.s32 s2, s17  }
0x8e: {  	[smem:$0x3FC6] =	sst s2  }
0x8f: {  	_ = 	snop  }
0x90: {  	s2 =	sld [smem:$0x3FD0];
	(tm) =	ssettm $0x1  }
0x91: {  	s18 =	sld [smem:$0x3FFB];
	_ =	sdelay $0x3  }
0x92: {  	_ =	strace s18  }
0x93: {  	s3 =	sld [smem:$0x3FFC];
	_ =	sdelay $0x3  }
0x94: {  	_ =	strace s3  }
0x95: {  	s3 =	sld [smem:$0x3FFD];
	_ =	sdelay $0x3  }
0x96: {  	_ =	strace s3  }
0x97: {  	_ =	strace $0x8FFFFFFF  }
0x98: {  	s19 =	sld [smem:$0x3FDB];
	_ =	sdelay $0x1  }
0x99: {  	s4 =	simm.s32 $_scs_section_size  }
0x9a: {  	s5 =	simm.s32 $_size__tile_overlayer_lowered;
	s6 =	simm.s32 $_tile_overlayer_lowered  }
0x9b: {  	s22 =	simm.s32 $0x1BFF;
	s21 =	sshll.u32 s6, $0x1;
	s3 =	sadd.s32 s4, s19  }
0x9c: {  	s7 =	simm.s32 $0x0;
	s20 =	sshll.u32 s5, $0x1;
	s5 =	sadd.s32 s21, s3  }
0x9d: {  	[timem:s7], [sflag:s22] =	dma.local [hbm:s5], s20  }
0x9e: {  	_ =	swait.ge [sflag:s22], s20  }
0x9f: {  	s4 =	ssub.s32 $0x0, s20;
	[sflag:s22] =	ssyncset.done $0x0  }
0xa0: {  	[sflag:s22] =	ssyncadd.s32 s4;
	_ =	sdelay $0x1  }
0xa1: {  	s23 =	simm.s32 $0x1B8B  }
0xa2: {  	_ =	swait.ge [sflag:s23], $0x1  }
0xa3: {  	[sflag:s23] =	ssyncset.done $0x0  }
0xa4: {  	s25 =	simm.s32 $0x1B8E;
	s24 =	sld [smem:$0x3FFE];
	[sflag:s23] =	ssyncadd.s32 $0xFFFFFFFF  }
0xa5: {  	s26 =	simm.s32 $execute0_lowered;
	[smem:$0x3FD2] =	sst s25  }
0xa6: {  	s5 =	sshll.u32 s26, $0x1;
	_ =	strace $0x80000049;
	[dreg:$0x1] =	wrdreg $0xFFFFFFFF  }
0xa7: {  	s28 =	simm.s32 $_size_execute0_lowered;
	s3 =	sadd.s32 s3, s5;
	[dreg:$0x0] =	wrdreg $0x0  }
0xa8: {  	s5 =	sshll.u32 s28, $0x1;
	[dreg:$0x2] =	wrdreg s3  }
0xa9: {  	[dreg:$0x3] =	wrdreg s5  }
0xaa: {  	[dreg:$0x4] =	wrdreg $0xC0  }
0xab: {  	_ =	task [dreg:s7], $0x5FFFF  }
0xac: {  	[dreg:$0x1] =	wrdreg $0xFFFFFFFF  }
0xad: {  	[dreg:$0x0] =	wrdreg $0x60  }
0xae: {  	[dreg:$0x2] =	wrdreg s24  }
0xaf: {  	[dreg:$0x3] =	wrdreg s2  }
0xb0: {  	[dreg:$0x4] =	wrdreg $0x9  }
0xb1: {  	_ =	task.clear_ibuf [dreg:s7], $0x5FFFF;
	_ =	strace $0x90000049  }
0xb2: {  	s29 =	simm.s32 $0x9;
	_ =	strace $0x8000004B  }
0xb3: {  	_ =	swait.ge [sflag:s29], $0x1  }
0xb4: {  	[sflag:s29] =	ssyncadd.s32 $0xFFFFFFFF  }
0xb5: {  	_ =	strace $0x9000004B  }
0xb6: {  	_ =	sfence  }
0xb7: {  	s30 =	sld [smem:$0x0];
	_ =	sdelay $0x2  }
0xb8: {  	s31 =	sshll.u32 s1, $0xD;
	s1 =	sshrl.u32 s1, $0x2  }
0xb9: {  	s3 =	sand.u32 $0x4000, s31;
	s1 =	sadd.s32 s1, s30  }
0xba: {  	s0 =	sor.u32 s3, s0;
	s1 =	sshll.u32 s1, $0x11  }
0xbb: {  	s0 =	sor.u32 s1, s0  }
0xbc: {  	s0 =	sadd.s32 $0x8F2B, s0  }
0xbd: {  	[sflag:s0] =	ssyncadd.remote.s32 $0x1  }
0xbe: {  	_ =	sfence.sel $0xFFFF  }
0xbf: {  	[dreg:$0x0] =	wrdreg $0xFFFFFFFF;
	(pc) =	sbr.abs _section_cstart, $3  }
0xc0: {  	[dreg:$0x1] =	wrdreg $0xFFFFFFFF  }
0xc1: {  	_ =	task.clear_ibuf [dreg:s7], $0x2FFFF;
	_ =	strace $0x9FFFFFFF  }
0xc2: {  	(tm) =	ssettm $0x7FFFFFFF  }
0xc3: {  	_ =	shalt  }
tec
execute0_lowered:
.L_overlay_start_1:
0x0: {  	(tag) =	ssettag $0x1  }
0x1: {  	s0 =	srdreg.scid;
	s1 =	rddreg [dreg:$0x0]  }
0x2: {  	s8 =	stileid.u32;
	s4 =	rddreg [dreg:$0x1]  }
0x3: {  	s2 =	simm.s32 $0x0;
	s9 =	simm.s32 $0x3;
	s10 =	simm.s32 $0x32  }
0x4: {  	s11 =	simm.s32 $0x1C00;
	s13 =	simm.s32 $0x2880;
	s15 =	simm.s32 $0x3500  }
0x5: {  	s17 =	simm.s32 $0x4180;
	s19 =	simm.s32 $0x4E00;
	s21 =	simm.s32 $0x5A80  }
0x6: {  	s23 =	simm.s32 $0x6700;
	s28 =	simm.s32 $0x8C80;
	s29 =	simm.s32 $0x9900  }
0x7: {  	s30 =	simm.s32 $0xA580;
	s31 =	simm.s32 $0xB200;
	s0 =	sand.u32 $0x1, s0  }
0x8: {  	s12 =	simm.s32 $0xD780;
	s3 =	sshll.u32 s8, $0x8;
	s5 =	sshll.u32 s0, $0x7  }
0x9: {  	s14 =	simm.s32 $0x1;
	s8 =	smul.u32 $0x19000, s8;
	s3 =	sor.u32 s5, s3  }
0xa: {  	s16 =	simm.s32 $0x2;
	s18 =	simm.s32 $0x0;
	s5 =	smul.u32 $0x7, s3  }
0xb: {  	[smem:$0x7FF] =	sst s2;
	s24 =	ssub.s32 $0x2, s0;
	s6 =	smul.u32 $0xC80, s3  }
0xc: {  	_ =	strace $0x8000004A;
	s0 =	smul.u32 $0xC800, s0;
	s7 =	sshrl.u32 s24, $0x1  }
0xd: {  	s3 =	sadd.s32 $0xF4A200, s1;
	s5 =	sadd.s32 s5, s1;
	s6 =	sshrl.u32 s6, $0x3  }
0xe: {  	s1 =	ssub.s32 s24, s7;
	s6 =	sadd.s32 s4, s6;
	s5 =	sadd.s32 $0xF43200, s5  }
0xf: {  	s4 =	sadd.s32 s8, s4;
	s7 =	smax.u32 s1, $0x1;
	s1 =	simm.s32 $0xBE80  }
0x10: {  	[dreg:$0x3] =	wrdreg s5;
	s25 =	sadd.s32 $0xAF00, s6;
	s26 =	sadd.s32 $0xBB80, s6  }
0x11: {  	s8 =	sadd.s32 s0, s4;
	s0 =	simm.s32 $0xCB00;
	[dreg:$0x4] =	wrdreg s25  }
0x12: {  	[dreg:$0x5] =	wrdreg s26;
	s25 =	simm.s32 $0x7380;
	s26 =	simm.s32 $0x8000  }
.LBB2_1:
0x13: {  	s4 =	rddreg [dreg:$0x3]  }
0x14: {  	[tilespmem:s2], [sflag:$0x3] =	stream.linear.gather [hbm4b:s4+s2], $0x1C00, $0x38;
	[tilespmem:$0xE400] =	vst v63  }
0x15: {  	_ =	swait.ge [sflag:s9], $0x1C00  }
0x16: {  	[sflag:s9] =	ssyncset.done $0x0  }
0x17: {  	[sflag:s9] =	ssyncadd.s32 $0xFFFFE400  }
0x18: {  	[tilespmem:s11], [sflag:$0x1] =	stream.indirect.gather [hbm4b:s3+s10], $0x40, s2, s10, $0xb8;
	[tilespmem:$0xE400] =	vst v63  }
0x19: {  	s6 =	simm.s32 $0x38  }
0x1a: {  	[tilespmem:s13], [sflag:$0x1] =	stream.indirect.gather [hbm4b:s3+s10], $0x40, s6, s10, $0xb8;
	[tilespmem:$0xE400] =	vst v63  }
0x1b: {  	s20 =	simm.s32 $0x70  }
0x1c: {  	[tilespmem:s15], [sflag:$0x1] =	stream.indirect.gather [hbm4b:s3+s10], $0x40, s20, s10, $0xb8;
	[tilespmem:$0xE400] =	vst v63  }
0x1d: {  	s22 =	simm.s32 $0xA8  }
0x1e: {  	[tilespmem:s17], [sflag:$0x1] =	stream.indirect.gather [hbm4b:s3+s10], $0x40, s22, s10, $0xb8;
	[tilespmem:$0xE400] =	vst v63  }
0x1f: {  	s24 =	simm.s32 $0xE0  }
0x20: {  	[tilespmem:s19], [sflag:$0x1] =	stream.indirect.gather [hbm4b:s3+s10], $0x40, s24, s10, $0xb8;
	[tilespmem:$0xE400] =	vst v63  }
0x21: {  	s5 =	simm.s32 $0x118  }
0x22: {  	[tilespmem:s21], [sflag:$0x1] =	stream.indirect.gather [hbm4b:s3+s10], $0x40, s5, s10, $0xb8;
	[tilespmem:$0xE400] =	vst v63  }
0x23: {  	s6 =	simm.s32 $0x150  }
0x24: {  	[tilespmem:s23], [sflag:$0x1] =	stream.indirect.gather [hbm4b:s3+s10], $0x40, s6, s10, $0xb8;
	[tilespmem:$0xE400] =	vst v63  }
0x25: {  	s20 =	simm.s32 $0x188  }
0x26: {  	[tilespmem:s25], [sflag:$0x1] =	stream.indirect.gather [hbm4b:s3+s10], $0x40, s20, s10, $0xb8;
	[tilespmem:$0xE400] =	vst v63  }
0x27: {  	s22 =	simm.s32 $0x1C0  }
0x28: {  	[tilespmem:s26], [sflag:$0x2] =	stream.indirect.gather [hbm4b:s3+s10], $0x40, s22, s10, $0xb8;
	[tilespmem:$0xE400] =	vst v63  }
0x29: {  	s24 =	simm.s32 $0x1F8  }
0x2a: {  	[tilespmem:s28], [sflag:$0x2] =	stream.indirect.gather [hbm4b:s3+s10], $0x40, s24, s10, $0xb8;
	[tilespmem:$0xE400] =	vst v63  }
0x2b: {  	s5 =	simm.s32 $0x230  }
0x2c: {  	[tilespmem:s29], [sflag:$0x2] =	stream.indirect.gather [hbm4b:s3+s10], $0x40, s5, s10, $0xb8;
	[tilespmem:$0xE400] =	vst v63  }
0x2d: {  	s6 =	simm.s32 $0x268  }
0x2e: {  	[tilespmem:s30], [sflag:$0x2] =	stream.indirect.gather [hbm4b:s3+s10], $0x40, s6, s10, $0xb8;
	[tilespmem:$0xE400] =	vst v63  }
0x2f: {  	s20 =	simm.s32 $0x2A0  }
0x30: {  	[tilespmem:s31], [sflag:$0x2] =	stream.indirect.gather [hbm4b:s3+s10], $0x40, s20, s10, $0xb8;
	[tilespmem:$0xE400] =	vst v63  }
0x31: {  	s22 =	simm.s32 $0x2D8  }
0x32: {  	[tilespmem:s1], [sflag:$0x2] =	stream.indirect.gather [hbm4b:s3+s10], $0x40, s22, s10, $0xb8;
	[tilespmem:$0xE400] =	vst v63  }
0x33: {  	s24 =	simm.s32 $0x310  }
0x34: {  	[tilespmem:s0], [sflag:$0x2] =	stream.indirect.gather [hbm4b:s3+s10], $0x40, s24, s10, $0xb8;
	[tilespmem:$0xE400] =	vst v63  }
0x35: {  	s5 =	simm.s32 $0x348  }
0x36: {  	[tilespmem:s12], [sflag:$0x2] =	stream.indirect.gather [hbm4b:s3+s10], $0x40, s5, s10, $0xb8;
	[tilespmem:$0xE400] =	vst v63  }
0x37: {  	_ =	swait.ge [sflag:s14], $0x6400  }
0x38: {  	[sflag:s14] =	ssyncset.done $0x0  }
0x39: {  	[sflag:s14] =	ssyncadd.s32 $0xFFFF9C00  }
0x3a: {  	[hbm4b:s8+s2] =	stream.linear.scatter [tilespmem:s11], [sflag:$0x3], $0x6400, $0x38;
	[tilespmem:$0xE400] =	vst v63  }
0x3b: {  	_ =	swait.ge [sflag:s9], $0x6400  }
0x3c: {  	[sflag:s9] =	ssyncset.done $0x0  }
0x3d: {  	s6 =	simm.s32 $0x380;
	[sflag:s9] =	ssyncadd.s32 $0xFFFF9C00  }
0x3e: {  	[tilespmem:s11], [sflag:$0x1] =	stream.indirect.gather [hbm4b:s3+s10], $0x40, s6, s10, $0xb8;
	[tilespmem:$0xE400] =	vst v63  }
0x3f: {  	s20 =	simm.s32 $0x3B8  }
0x40: {  	[tilespmem:s13], [sflag:$0x1] =	stream.indirect.gather [hbm4b:s3+s10], $0x40, s20, s10, $0xb8;
	[tilespmem:$0xE400] =	vst v63  }
0x41: {  	s22 =	simm.s32 $0x3F0  }
0x42: {  	[tilespmem:s15], [sflag:$0x1] =	stream.indirect.gather [hbm4b:s3+s10], $0x40, s22, s10, $0xb8;
	[tilespmem:$0xE400] =	vst v63  }
0x43: {  	s24 =	simm.s32 $0x428  }
0x44: {  	[tilespmem:s17], [sflag:$0x1] =	stream.indirect.gather [hbm4b:s3+s10], $0x40, s24, s10, $0xb8;
	[tilespmem:$0xE400] =	vst v63  }
0x45: {  	s5 =	simm.s32 $0x460  }
0x46: {  	[tilespmem:s19], [sflag:$0x1] =	stream.indirect.gather [hbm4b:s3+s10], $0x40, s5, s10, $0xb8;
	[tilespmem:$0xE400] =	vst v63  }
0x47: {  	s6 =	simm.s32 $0x498  }
0x48: {  	[tilespmem:s21], [sflag:$0x1] =	stream.indirect.gather [hbm4b:s3+s10], $0x40, s6, s10, $0xb8;
	[tilespmem:$0xE400] =	vst v63  }
0x49: {  	s20 =	simm.s32 $0x4D0  }
0x4a: {  	[tilespmem:s23], [sflag:$0x1] =	stream.indirect.gather [hbm4b:s3+s10], $0x40, s20, s10, $0xb8;
	[tilespmem:$0xE400] =	vst v63  }
0x4b: {  	s22 =	simm.s32 $0x508  }
0x4c: {  	[tilespmem:s25], [sflag:$0x1] =	stream.indirect.gather [hbm4b:s3+s10], $0x40, s22, s10, $0xb8;
	[tilespmem:$0xE400] =	vst v63  }
0x4d: {  	_ =	swait.ge [sflag:s16], $0x6400  }
0x4e: {  	[sflag:s16] =	ssyncset.done $0x0  }
0x4f: {  	s24 =	sadd.s32 $0xC80, s8;
	[sflag:s16] =	ssyncadd.s32 $0xFFFF9C00  }
0x50: {  	[hbm4b:s24+s2] =	stream.linear.scatter [tilespmem:s26], [sflag:$0x3], $0x6400, $0x38;
	[tilespmem:$0xE400] =	vst v63  }
0x51: {  	s20 =	sadd.s32 $0x1900, s8;
	_ =	swait.ge [sflag:s9], $0x6400  }
0x52: {  	s22 =	simm.s32 $0x380;
	s24 =	simm.s32 $0x1C00;
	[sflag:s9] =	ssyncset.done $0x0  }
.LBB2_2:
0x53: {  	s6 =	sadd.s32 $0x1C0, s22  }
0x54: {  	[sflag:s9] =	ssyncadd.s32 $0xFFFF9C00;
	s4 =	smov.u32 s24;
	s5 =	sadd.s32 $0xE00, s24  }
0x55: {  	[tilespmem:s26], [sflag:$0x2] =	stream.indirect.gather [hbm4b:s3+s10], $0x40, s6, s10, $0xb8;
	[tilespmem:$0xE400] =	vst v63  }
0x56: {  	p0 =	sne.s32 s24, $0x5400;
	s6 =	sadd.s32 $0x1F8, s22  }
0x57: {  	[tilespmem:s28], [sflag:$0x2] =	stream.indirect.gather [hbm4b:s3+s10], $0x40, s6, s10, $0xb8;
	[tilespmem:$0xE400] =	vst v63  }
0x58: {  	s6 =	sadd.s32 $0x230, s22  }
0x59: {  	[tilespmem:s29], [sflag:$0x2] =	stream.indirect.gather [hbm4b:s3+s10], $0x40, s6, s10, $0xb8;
	[tilespmem:$0xE400] =	vst v63  }
0x5a: {  	s6 =	sadd.s32 $0x268, s22  }
0x5b: {  	[tilespmem:s30], [sflag:$0x2] =	stream.indirect.gather [hbm4b:s3+s10], $0x40, s6, s10, $0xb8;
	[tilespmem:$0xE400] =	vst v63  }
0x5c: {  	s6 =	sadd.s32 $0x2A0, s22  }
0x5d: {  	[tilespmem:s31], [sflag:$0x2] =	stream.indirect.gather [hbm4b:s3+s10], $0x40, s6, s10, $0xb8;
	[tilespmem:$0xE400] =	vst v63  }
0x5e: {  	s6 =	sadd.s32 $0x2D8, s22  }
0x5f: {  	[tilespmem:s1], [sflag:$0x2] =	stream.indirect.gather [hbm4b:s3+s10], $0x40, s6, s10, $0xb8;
	[tilespmem:$0xE400] =	vst v63  }
0x60: {  	s6 =	sadd.s32 $0x310, s22  }
0x61: {  	[tilespmem:s0], [sflag:$0x2] =	stream.indirect.gather [hbm4b:s3+s10], $0x40, s6, s10, $0xb8;
	[tilespmem:$0xE400] =	vst v63  }
0x62: {  	s6 =	sadd.s32 $0x348, s22  }
0x63: {  	[tilespmem:s12], [sflag:$0x2] =	stream.indirect.gather [hbm4b:s3+s10], $0x40, s6, s10, $0xb8;
	[tilespmem:$0xE400] =	vst v63  }
0x64: {  	_ =	swait.ge [sflag:s14], $0x6400  }
0x65: {  	[sflag:s14] =	ssyncset.done $0x0  }
0x66: {  	[sflag:s14] =	ssyncadd.s32 $0xFFFF9C00  }
0x67: {  	[hbm4b:s20+s2] =	stream.linear.scatter [tilespmem:s11], [sflag:$0x3], $0x6400, $0x38;
	[tilespmem:$0xE400] =	vst v63  }
0x68: {  	_ =	swait.ge [sflag:s9], $0x6400  }
0x69: {  	[sflag:s9] =	ssyncset.done $0x0  }
0x6a: {  	s6 =	sadd.s32 $0x380, s22;
	[sflag:s9] =	ssyncadd.s32 $0xFFFF9C00  }
0x6b: {  	[tilespmem:s11], [sflag:$0x1] =	stream.indirect.gather [hbm4b:s3+s10], $0x40, s6, s10, $0xb8;
	[tilespmem:$0xE400] =	vst v63  }
0x6c: {  	s6 =	sadd.s32 $0x3B8, s22  }
0x6d: {  	[tilespmem:s13], [sflag:$0x1] =	stream.indirect.gather [hbm4b:s3+s10], $0x40, s6, s10, $0xb8;
	[tilespmem:$0xE400] =	vst v63  }
0x6e: {  	s6 =	sadd.s32 $0x3F0, s22  }
0x6f: {  	[tilespmem:s15], [sflag:$0x1] =	stream.indirect.gather [hbm4b:s3+s10], $0x40, s6, s10, $0xb8;
	[tilespmem:$0xE400] =	vst v63  }
0x70: {  	s6 =	sadd.s32 $0x428, s22  }
0x71: {  	[tilespmem:s17], [sflag:$0x1] =	stream.indirect.gather [hbm4b:s3+s10], $0x40, s6, s10, $0xb8;
	[tilespmem:$0xE400] =	vst v63  }
0x72: {  	s6 =	sadd.s32 $0x460, s22  }
0x73: {  	[tilespmem:s19], [sflag:$0x1] =	stream.indirect.gather [hbm4b:s3+s10], $0x40, s6, s10, $0xb8;
	[tilespmem:$0xE400] =	vst v63  }
0x74: {  	s6 =	sadd.s32 $0x498, s22  }
0x75: {  	[tilespmem:s21], [sflag:$0x1] =	stream.indirect.gather [hbm4b:s3+s10], $0x40, s6, s10, $0xb8;
	[tilespmem:$0xE400] =	vst v63  }
0x76: {  	s6 =	sadd.s32 $0x4D0, s22  }
0x77: {  	[tilespmem:s23], [sflag:$0x1] =	stream.indirect.gather [hbm4b:s3+s10], $0x40, s6, s10, $0xb8;
	[tilespmem:$0xE400] =	vst v63  }
0x78: {  	s6 =	sadd.s32 $0x508, s22  }
0x79: {  	[tilespmem:s25], [sflag:$0x1] =	stream.indirect.gather [hbm4b:s3+s10], $0x40, s6, s10, $0xb8;
	[tilespmem:$0xE400] =	vst v63  }
0x7a: {  	_ =	swait.ge [sflag:s16], $0x6400  }
.Ltmp0:
0x7b: {  	[sflag:s16] =	ssyncset.done $0x0;
	(pc) =	sbr.rel @p0 .LBB2_2-.Ltmp0, $4  }
0x7c: {  	s6 =	sadd.s32 $0xC80, s20;
	[sflag:s16] =	ssyncadd.s32 $0xFFFF9C00  }
0x7d: {  	[hbm4b:s6+s2] =	stream.linear.scatter [tilespmem:s26], [sflag:$0x3], $0x6400, $0x38;
	[tilespmem:$0xE400] =	vst v63  }
0x7e: {  	s24 =	smov.u32 s5;
	_ =	swait.ge [sflag:s9], $0x6400  }
0x7f: {  	s22 =	sshra.s32 s4, $0x2;
	s20 =	sadd.s32 $0x1900, s20;
	[sflag:s9] =	ssyncset.done $0x0  }
0x80: {  	s4 =	sadd.s32 $0x1C0, s22;
	[sflag:s9] =	ssyncadd.s32 $0xFFFF9C00  }
0x81: {  	[tilespmem:s26], [sflag:$0x2] =	stream.indirect.gather [hbm4b:s3+s10], $0x40, s4, s10, $0xb8;
	[tilespmem:$0xE400] =	vst v63  }
0x82: {  	s5 =	sadd.s32 $0x1F8, s22  }
0x83: {  	[tilespmem:s28], [sflag:$0x2] =	stream.indirect.gather [hbm4b:s3+s10], $0x40, s5, s10, $0xb8;
	[tilespmem:$0xE400] =	vst v63  }
0x84: {  	s6 =	sadd.s32 $0x230, s22  }
0x85: {  	[tilespmem:s29], [sflag:$0x2] =	stream.indirect.gather [hbm4b:s3+s10], $0x40, s6, s10, $0xb8;
	[tilespmem:$0xE400] =	vst v63  }
0x86: {  	s24 =	sadd.s32 $0x268, s22  }
0x87: {  	[tilespmem:s30], [sflag:$0x2] =	stream.indirect.gather [hbm4b:s3+s10], $0x40, s24, s10, $0xb8;
	[tilespmem:$0xE400] =	vst v63  }
0x88: {  	s5 =	sadd.s32 $0x2A0, s22  }
0x89: {  	[tilespmem:s31], [sflag:$0x2] =	stream.indirect.gather [hbm4b:s3+s10], $0x40, s5, s10, $0xb8;
	[tilespmem:$0xE400] =	vst v63  }
0x8a: {  	s6 =	sadd.s32 $0x2D8, s22  }
0x8b: {  	[tilespmem:s1], [sflag:$0x2] =	stream.indirect.gather [hbm4b:s3+s10], $0x40, s6, s10, $0xb8;
	[tilespmem:$0xE400] =	vst v63  }
0x8c: {  	s24 =	sadd.s32 $0x310, s22  }
0x8d: {  	[tilespmem:s0], [sflag:$0x2] =	stream.indirect.gather [hbm4b:s3+s10], $0x40, s24, s10, $0xb8;
	[tilespmem:$0xE400] =	vst v63  }
0x8e: {  	s5 =	sadd.s32 $0x348, s22  }
0x8f: {  	[tilespmem:s12], [sflag:$0x2] =	stream.indirect.gather [hbm4b:s3+s10], $0x40, s5, s10, $0xb8;
	[tilespmem:$0xE400] =	vst v63  }
0x90: {  	_ =	swait.ge [sflag:s14], $0x6400  }
0x91: {  	[sflag:s14] =	ssyncset.done $0x0  }
0x92: {  	[sflag:s14] =	ssyncadd.s32 $0xFFFF9C00  }
0x93: {  	[hbm4b:s20+s2] =	stream.linear.scatter [tilespmem:s11], [sflag:$0x3], $0x6400, $0x38;
	[tilespmem:$0xE400] =	vst v63  }
0x94: {  	_ =	swait.ge [sflag:s9], $0x6400  }
0x95: {  	[sflag:s9] =	ssyncset.done $0x0  }
0x96: {  	s6 =	sadd.s32 $0x380, s22;
	[sflag:s9] =	ssyncadd.s32 $0xFFFF9C00  }
0x97: {  	[tilespmem:s11], [sflag:$0x1] =	stream.indirect.gather [hbm4b:s3+s10], $0x40, s6, s10, $0xb8;
	[tilespmem:$0xE400] =	vst v63  }
0x98: {  	s24 =	sadd.s32 $0x3B8, s22  }
0x99: {  	[tilespmem:s13], [sflag:$0x1] =	stream.indirect.gather [hbm4b:s3+s10], $0x40, s24, s10, $0xb8;
	[tilespmem:$0xE400] =	vst v63  }
0x9a: {  	s5 =	sadd.s32 $0x3F0, s22  }
0x9b: {  	[tilespmem:s15], [sflag:$0x1] =	stream.indirect.gather [hbm4b:s3+s10], $0x40, s5, s10, $0xb8;
	[tilespmem:$0xE400] =	vst v63  }
0x9c: {  	s6 =	sadd.s32 $0x428, s22  }
0x9d: {  	[tilespmem:s17], [sflag:$0x1] =	stream.indirect.gather [hbm4b:s3+s10], $0x40, s6, s10, $0xb8;
	[tilespmem:$0xE400] =	vst v63  }
0x9e: {  	s24 =	sadd.s32 $0x460, s22  }
0x9f: {  	[tilespmem:s19], [sflag:$0x1] =	stream.indirect.gather [hbm4b:s3+s10], $0x40, s24, s10, $0xb8;
	[tilespmem:$0xE400] =	vst v63  }
0xa0: {  	s5 =	sadd.s32 $0x498, s22  }
0xa1: {  	[tilespmem:s21], [sflag:$0x1] =	stream.indirect.gather [hbm4b:s3+s10], $0x40, s5, s10, $0xb8;
	[tilespmem:$0xE400] =	vst v63  }
0xa2: {  	s6 =	sadd.s32 $0x4D0, s22  }
0xa3: {  	[tilespmem:s23], [sflag:$0x1] =	stream.indirect.gather [hbm4b:s3+s10], $0x40, s6, s10, $0xb8;
	[tilespmem:$0xE400] =	vst v63  }
0xa4: {  	s22 =	sadd.s32 $0x508, s22  }
0xa5: {  	[tilespmem:s25], [sflag:$0x1] =	stream.indirect.gather [hbm4b:s3+s10], $0x40, s22, s10, $0xb8;
	[tilespmem:$0xE400] =	vst v63  }
0xa6: {  	_ =	swait.ge [sflag:s16], $0x6400  }
0xa7: {  	[sflag:s16] =	ssyncset.done $0x0  }
0xa8: {  	s24 =	sadd.s32 $0xC80, s20;
	[sflag:s16] =	ssyncadd.s32 $0xFFFF9C00  }
0xa9: {  	[hbm4b:s24+s2] =	stream.linear.scatter [tilespmem:s26], [sflag:$0x3], $0x6400, $0x38;
	[tilespmem:$0xE400] =	vst v63  }
0xaa: {  	_ =	swait.ge [sflag:s9], $0x6400  }
0xab: {  	[sflag:s9] =	ssyncset.done $0x0  }
0xac: {  	s5 =	simm.s32 $0x1A40;
	[sflag:s9] =	ssyncadd.s32 $0xFFFF9C00  }
0xad: {  	[tilespmem:s26], [sflag:$0x2] =	stream.indirect.gather [hbm4b:s3+s10], $0x40, s5, s10, $0xb8;
	[tilespmem:$0xE400] =	vst v63  }
0xae: {  	s6 =	simm.s32 $0x1A78  }
0xaf: {  	[tilespmem:s28], [sflag:$0x2] =	stream.indirect.gather [hbm4b:s3+s10], $0x40, s6, s10, $0xb8;
	[tilespmem:$0xE400] =	vst v63  }
0xb0: {  	s20 =	simm.s32 $0x1AB0  }
0xb1: {  	[tilespmem:s29], [sflag:$0x2] =	stream.indirect.gather [hbm4b:s3+s10], $0x40, s20, s10, $0xb8;
	[tilespmem:$0xE400] =	vst v63  }
0xb2: {  	s22 =	simm.s32 $0x1AE8  }
0xb3: {  	[tilespmem:s30], [sflag:$0x2] =	stream.indirect.gather [hbm4b:s3+s10], $0x40, s22, s10, $0xb8;
	[tilespmem:$0xE400] =	vst v63  }
0xb4: {  	s24 =	simm.s32 $0x1B20  }
0xb5: {  	[tilespmem:s31], [sflag:$0x2] =	stream.indirect.gather [hbm4b:s3+s10], $0x40, s24, s10, $0xb8;
	[tilespmem:$0xE400] =	vst v63  }
0xb6: {  	s5 =	simm.s32 $0x1B58  }
0xb7: {  	[tilespmem:s1], [sflag:$0x2] =	stream.indirect.gather [hbm4b:s3+s10], $0x40, s5, s10, $0xb8;
	[tilespmem:$0xE400] =	vst v63  }
0xb8: {  	s6 =	simm.s32 $0x1B90  }
0xb9: {  	[tilespmem:s0], [sflag:$0x2] =	stream.indirect.gather [hbm4b:s3+s10], $0x40, s6, s10, $0xb8;
	[tilespmem:$0xE400] =	vst v63  }
0xba: {  	s20 =	simm.s32 $0x1BC8  }
0xbb: {  	[tilespmem:s12], [sflag:$0x2] =	stream.indirect.gather [hbm4b:s3+s10], $0x40, s20, s10, $0xb8;
	[tilespmem:$0xE400] =	vst v63  }
0xbc: {  	_ =	swait.ge [sflag:s14], $0x6400  }
0xbd: {  	[sflag:s14] =	ssyncset.done $0x0  }
0xbe: {  	s22 =	rddreg [dreg:$0x4];
	[sflag:s14] =	ssyncadd.s32 $0xFFFF9C00  }
0xbf: {  	[hbm4b:s22+s2] =	stream.linear.scatter [tilespmem:s11], [sflag:$0x3], $0x6400, $0x38;
	[tilespmem:$0xE400] =	vst v63  }
0xc0: {  	_ =	swait.ge [sflag:s9], $0x6400  }
0xc1: {  	[sflag:s9] =	ssyncset.done $0x0  }
0xc2: {  	[sflag:s9] =	ssyncadd.s32 $0xFFFF9C00  }
0xc3: {  	s18 =	sadd.s32 $0x1, s18;
	_ =	swait.ge [sflag:s16], $0x6400  }
0xc4: {  	p0 =	sne.s32 s18, s7;
	[sflag:s16] =	ssyncset.done $0x0  }
.Ltmp1:
0xc5: {  	s24 =	rddreg [dreg:$0x5];
	[sflag:s16] =	ssyncadd.s32 $0xFFFF9C00;
	(pc) =	sbr.rel @p0 .LBB2_1-.Ltmp1, $4  }
0xc6: {  	[hbm4b:s24+s2] =	stream.linear.scatter [tilespmem:s26], [sflag:$0x3], $0x6400, $0x38;
	[tilespmem:$0xE400] =	vst v63  }
0xc7: {  	_ =	swait.ge [sflag:s9], $0x6400  }
0xc8: {  	[sflag:s9] =	ssyncset.done $0x0  }
0xc9: {  	[sflag:s9] =	ssyncadd.s32 $0xFFFF9C00  }
0xca: {  	_ =	sfence.sel $0x180000  }
0xcb: {  	[bflag:$0x0] =	sbarrier.arrive $0xFFFF  }
0xcc: {  	_ =	strace $0x9000004A  }
0xcd: {  	s0 =	stileid.u32;
	[bflag:$0x2] =	sbarrier.arrive $0xFFFF  }
0xce: {  	p0 =	sne.s32 s0, $0x0;
	s0 =	rddreg [dreg:$0x2]  }
0xcf: {  	s0 =	sadd.s32 @!p0 $0x100000, s0  }
0xd0: {  	[sflag:s0] =	ssyncadd.tile.s32 @!p0 $0x1;
	_ =	shalt  }
.Lfunc_end2:
_tile_overlayer_lowered:
.L_overlay_start_2:
0xd1: {  	(tag) =	ssettag $0x2  }
0xd2: {  	s0 =	rddreg [dreg:$0x0];
	s2 =	stileid.u32  }
0xd3: {  	s1 =	rddreg [dreg:$0x1];
	p0 =	sne.s32 s2, $0x0  }
0xd4: {  	s3 =	rddreg [dreg:$0x2];
	[bflag:$0x3] =	sbarrier.arrive $0xFFFF;
	s2 =	simm.s32 @!p0 $0x1C03  }
0xd5: {  	[timem:s3], [sflag:s2] =	dma.local @!p0 [hbm:s0], s1  }
0xd6: {  	s0 =	simm.s32 @!p0 $0x3  }
0xd7: {  	_ =	swait.ge @!p0 [sflag:s0], s1  }
0xd8: {  	s1 =	ssub.s32 @!p0 $0x0, s1;
	[sflag:s0] =	ssyncset.done @!p0 $0x0  }
0xd9: {  	[sflag:s0] =	ssyncadd.s32 @!p0 s1  }
0xda: {  	[bflag:$0x3] =	sbarrier.arrive $0xFFFF  }
0xdb: {  	_ =	shalt  }

// kernel: sparse-core-data-format-call.1.cloned.1.call-start
scs
called_computation.1_lowered:
.L_overlay_start_0:
0x0: {  	s2 =	sld [smem:$0x3FD9]  }
0x1: {  	s3 =	sld [smem:$0x3FFE];
	_ =	sdelay $0x1  }
0x2: {  	s1 =	srdreg.scid  }
0x3: {  	s0 =	sand.u32 $0x1, s1  }
0x4: {  	s18 =	sshll.u32 s0, $0xA;
	s2 =	sadd.s32 s3, s2  }
0x5: {  	s2 =	sadd.s32 s2, s18  }
0x6: {  	[smem:$0x3FC6] =	sst s2  }
0x7: {  	_ = 	snop  }
0x8: {  	s2 =	sld [smem:$0x3FC8];
	(tm) =	ssettm $0x1  }
0x9: {  	s19 =	sld [smem:$0x3FFB];
	_ =	sdelay $0x3  }
0xa: {  	_ =	strace s19  }
0xb: {  	s3 =	sld [smem:$0x3FFC];
	_ =	sdelay $0x3  }
0xc: {  	_ =	strace s3  }
0xd: {  	s3 =	sld [smem:$0x3FFD];
	_ =	sdelay $0x3  }
0xe: {  	_ =	strace s3  }
0xf: {  	_ =	strace $0x8FFFFFFF  }
0x10: {  	s20 =	sld [smem:$0x3FDB];
	_ =	sdelay $0x1  }
0x11: {  	s4 =	simm.s32 $_scs_section_size  }
0x12: {  	s5 =	simm.s32 $_size__tile_overlayer_lowered;
	s6 =	simm.s32 $_tile_overlayer_lowered  }
0x13: {  	s23 =	simm.s32 $0x1BFF;
	s22 =	sshll.u32 s6, $0x1;
	s3 =	sadd.s32 s4, s20  }
0x14: {  	s7 =	simm.s32 $0x0;
	s21 =	sshll.u32 s5, $0x1;
	s5 =	sadd.s32 s22, s3  }
0x15: {  	[timem:s7], [sflag:s23] =	dma.local [hbm:s5], s21  }
0x16: {  	_ =	swait.ge [sflag:s23], s21  }
0x17: {  	s4 =	ssub.s32 $0x0, s21;
	[sflag:s23] =	ssyncset.done $0x0  }
0x18: {  	[sflag:s23] =	ssyncadd.s32 s4;
	_ =	sdelay $0x1  }
0x19: {  	s24 =	simm.s32 $0x1B8B  }
0x1a: {  	_ =	swait.ge [sflag:s24], $0x1  }
0x1b: {  	[sflag:s24] =	ssyncset.done $0x0  }
0x1c: {  	s26 =	simm.s32 $0x1B8E;
	s25 =	sld [smem:$0x3FFE];
	[sflag:s24] =	ssyncadd.s32 $0xFFFFFFFF  }
0x1d: {  	s27 =	simm.s32 $execute0_lowered;
	[smem:$0x3FD2] =	sst s26  }
0x1e: {  	s5 =	sshll.u32 s27, $0x1;
	_ =	strace $0x80000046;
	[dreg:$0x1] =	wrdreg $0xFFFFFFFF  }
0x1f: {  	s28 =	simm.s32 $_size_execute0_lowered;
	s3 =	sadd.s32 s3, s5;
	[dreg:$0x0] =	wrdreg $0x0  }
0x20: {  	s5 =	sshll.u32 s28, $0x1;
	[dreg:$0x2] =	wrdreg s3  }
0x21: {  	[dreg:$0x3] =	wrdreg s5  }
0x22: {  	[dreg:$0x4] =	wrdreg $0xC0  }
0x23: {  	_ =	task [dreg:s7], $0x5FFFF  }
0x24: {  	[dreg:$0x1] =	wrdreg $0xFFFFFFFF  }
0x25: {  	[dreg:$0x0] =	wrdreg $0x60  }
0x26: {  	[dreg:$0x2] =	wrdreg s2  }
0x27: {  	[dreg:$0x3] =	wrdreg s25  }
0x28: {  	[dreg:$0x4] =	wrdreg $0x9  }
0x29: {  	_ =	task.clear_ibuf [dreg:s7], $0x5FFFF;
	_ =	strace $0x90000046  }
0x2a: {  	s29 =	simm.s32 $0x9;
	_ =	strace $0x80000048  }
0x2b: {  	_ =	swait.ge [sflag:s29], $0x1  }
0x2c: {  	[sflag:s29] =	ssyncadd.s32 $0xFFFFFFFF  }
0x2d: {  	_ =	strace $0x90000048  }
0x2e: {  	_ =	sfence  }
0x2f: {  	s30 =	sld [smem:$0x0];
	_ =	sdelay $0x2  }
0x30: {  	s31 =	sshll.u32 s1, $0xD;
	s1 =	sshrl.u32 s1, $0x2  }
0x31: {  	s3 =	sand.u32 $0x4000, s31;
	s1 =	sadd.s32 s1, s30  }
0x32: {  	s0 =	sor.u32 s3, s0;
	s1 =	sshll.u32 s1, $0x11  }
0x33: {  	s0 =	sor.u32 s1, s0  }
0x34: {  	s0 =	sadd.s32 $0x8F2B, s0  }
0x35: {  	[sflag:s0] =	ssyncadd.remote.s32 $0x1  }
0x36: {  	_ =	sfence.sel $0xFFFF  }
0x37: {  	[dreg:$0x0] =	wrdreg $0xFFFFFFFF;
	(pc) =	sbr.abs _section_cstart, $3  }
0x38: {  	[dreg:$0x1] =	wrdreg $0xFFFFFFFF  }
0x39: {  	_ =	task.clear_ibuf [dreg:s7], $0x2FFFF;
	_ =	strace $0x9FFFFFFF  }
0x3a: {  	(tm) =	ssettm $0x7FFFFFFF  }
0x3b: {  	_ =	shalt  }
tec
execute0_lowered:
.L_overlay_start_1:
0x0: {  	(tag) =	ssettag $0x1  }
0x1: {  	s0 =	srdreg.scid;
	s2 =	rddreg [dreg:$0x0]  }
0x2: {  	s5 =	rddreg [dreg:$0x1];
	s1 =	stileid.u32  }
0x3: {  	s4 =	simm.s32 $0x1;
	s6 =	simm.s32 $0x2;
	s15 =	simm.s32 $0x0  }
0x4: {  	p0 =	por $0x0, $0x0;
	s8 =	simm.s32 $0x80;
	s0 =	sshll.u32 s0, $0x4  }
0x5: {  	s14 =	simm.s32 $0x0;
	s9 =	simm.s32 $0x0;
	s3 =	sand.u32 $0x10, s0  }
.Ltmp0:
0x6: {  	s10 =	simm.s32 $0x0;
	s3 =	sor.u32 s1, s3;
	(pc) =	sbr.rel .LBB1_1-.Ltmp0, $4  }
0x7: {  	s0 =	rddreg [dreg:$0x2];
	_ =	strace $0x80000047;
	s3 =	sshll.u32 s3, $0x7  }
0x8: {  	s12 =	simm.s32 $0x0;
	[sflag:s4] =	ssyncpa.u1 $0x0;
	s7 =	ssub.s32 $0xF4200, s3  }
0x9: {  	s13 =	simm.s32 $0x0;
	[sflag:s6] =	ssyncpa.u1 $0x0;
	s6 =	sshrl.u32 s7, $0xC  }
0xa: {  	s5 =	sadd.s32 $0xE00, s5;
	s11 =	smov.u32 s3;
	s7 =	sadd.s32 $0x2, s6  }
.LBB1_5:
0xb: {  	p1 =	slt.u32 s13, $0x2  }
0xc: {  	s17 =	smov.u32 s15;
	p2 =	sgt.s32 @!p1 s15, $0xF41C0;
	s16 =	sshra.s32 @!p1 s15, $0x1F  }
0xd: {  	p3 =	sgt.s32 @!p1 s14, $0x40;
	s18 =	sshra.s32 @!p1 s14, $0x1F;
	p2 =	por !p2, p1  }
0xe: {  	s15 =	sand.u32 @!p1 s16, s15;
	p3 =	por !p3, p1;
	s16 =	smov.u32 s14  }
0xf: {  	s14 =	sand.u32 @!p1 s18, s14;
	s17 =	simm.s32 @p2 $0xF41C0;
	s16 =	simm.s32 @p3 $0x40  }
0x10: {  	s15 =	ssub.s32 @!p1 s17, s15;
	s14 =	ssub.s32 @!p1 s16, s14  }
0x11: {  	s18 =	smov.u32 s12;
	s16 =	sadd.s32 @!p1 $0xFFF0BE40, s15;
	s17 =	sadd.s32 @!p1 $0xFFFFFFC0, s14  }
0x12: {  	s15 =	ssub.s32 @!p1 $0xF4240, s15;
	p2 =	sgt.s32 @!p1 s16, $0x7F;
	p3 =	sgt.s32 @!p1 s17, $0x3F  }
0x13: {  	s14 =	ssub.s32 @!p1 $0x80, s14;
	p2 =	por !p2, p1;
	p3 =	por !p3, p1  }
0x14: {  	s16 =	sadd.s32 $0x1000, s11;
	s15 =	simm.s32 @!p2 $0x0;
	s14 =	simm.s32 @!p3 $0x0  }
0x15: {  	p2 =	sgt.s32 s16, $0xF423F;
	s14 =	smul.u32 @!p1 s14, s15;
	s15 =	sadd.s32 $0x40, s12  }
0x16: {  	s18 =	smov.u32 @p2 s15  }
0x17: {  	s16 =	smov.u32 @p2 s3;
	p2 =	sgt.s32 s18, $0x3F  }
0x18: {  	s18 =	simm.s32 @p2 $0x0;
	p2 =	sne.s32 s13, s7  }
.Ltmp1:
0x19: {  	p0 =	por !p0, !p0;
	s17 =	simm.s32 @!p1 $0x2;
	(pc) =	sbr.rel @!p2 .LBB1_6-.Ltmp1, $4  }
0x1a: {  	s15 =	smov.u32 s9;
	s9 =	smov.u32 s11;
	s14 =	sand.u32 @!p1 $0x3FFFFFFF, s14  }
0x1b: {  	s11 =	smov.u32 s16;
	_ =	swait.ge @!p1 [sflag:s17], s14;
	s19 =	ssub.s32 @!p1 $0x0, s14  }
0x1c: {  	s14 =	smov.u32 s10;
	s13 =	sadd.s32 $0x1, s13;
	[sflag:s17] =	ssyncset.done @!p1 $0x0  }
0x1d: {  	s10 =	smov.u32 s12;
	s12 =	smov.u32 s18;
	[sflag:s17] =	ssyncadd.s32 @!p1 s19  }
.LBB1_1:
0x1e: {  	p1 =	sgt.u32 s13, s6  }
0x1f: {  	s16 =	sshrl.u32 @!p1 s12, $0x3  }
0x20: {  	s17 =	sshll.u32 @!p1 s11, $0x3;
	s16 =	smul.u32 @!p1 $0x7A1400, s16  }
0x21: {  	s18 =	sshll.u32 @!p1 s12, $0x7;
	s17 =	sand.u32 @!p1 $0xFFFFFC00, s17  }
0x22: {  	s16 =	sadd.s32 @!p1 s16, s17;
	s17 =	sand.u32 @!p1 $0x380, s18  }
0x23: {  	s18 =	sand.u32 @!p1 $0x7F, s11;
	s16 =	sor.u32 @!p1 s17, s16  }
0x24: {  	s17 =	sor.u32 @!p1 s18, s16  }
0x25: {  	s18 =	smulhi.u32 @!p1 $0x218D6287, s17;
	_ =	sdelay $0x1  }
0x26: {  	s16 =	smulhi.u32 @!p1 $0x218D6287, s16;
	s18 =	sshrl.u32 @!p1 s18, $0x11  }
0x27: {  	s18 =	smul.u32 @!p1 $0xF4280, s18  }
0x28: {  	s19 =	sxor.u32 @!p1 $0xFFFFFFFF, s13;
	s16 =	sshrl.u32 @!p1 s16, $0x11  }
0x29: {  	s19 =	sshll.u32 @!p1 s19, $0xD;
	s16 =	sand.u32 @!p1 $0x3F, s16;
	s17 =	ssub.s32 @!p1 s17, s18  }
0x2a: {  	s16 =	smul.u32 @!p1 $0x1E850, s16;
	s18 =	sshrl.u32 @!p1 s17, $0x3;
	s17 =	sand.u32 @!p1 $0x7, s17  }
0x2b: {  	s19 =	sand.u32 @!p1 $0x2000, s19;
	s18 =	sadd.s32 @!p1 s2, s18;
	s17 =	sshll.u32 @!p1 s17, $0x12  }
0x2c: {  	s16 =	sadd.s32 @!p1 s16, s18;
	s17 =	sor.u32 @!p1 $0x400, s17;
	s18 =	simm.s32 @!p1 $0x7A1400  }
0x2d: {  	[tilespmem:s19], [sflag:$0x1] =	stream.strided.gather @!p1 [hbm4b:s16+s17], $0x2000, s18, s17, $0x38;
	[tilespmem:$0x8100] =	vst v63  }
0x2e: {  	p1 =	seq.s32 s13, $0x0  }
0x2f: {  	p2 =	sge.u32 @!p1 s13, s7  }
0x30: {  	p1 =	por p1, p2  }
.Ltmp2:
0x31: {  	_ = 	snop;
	(pc) =	sbr.rel @p1 .LBB1_5-.Ltmp2, $1  }
0x32: {  	_ =	sdelay $0x3  }
0x33: {  	s16 =	simm.s32 $0x1  }
0x34: {  	_ =	swait.ge [sflag:s4], $0x2000;
	s16 =	simm.s32 @!p0 $0x0  }
0x35: {  	[sflag:s4] =	ssyncset.done $0x0;
	s17 =	sshll.u32 s16, $0xD  }
0x36: {  	[sflag:s4] =	ssyncadd.s32 $0xFFFFE000;
	s17 =	sor.u32 $0x40, s17  }
0x37: {  	s16 =	smul.u32 $0x8200, s16;
	v0 =	vld [tilespmem:s17+$0x30]  }
0x38: {  	v1 =	vld [tilespmem:s17+$0xFFFFFFD0]  }
0x39: {  	s16 =	sshrl.u32 s16, $0x2;
	v5 =	vld [tilespmem:s17+$0xFFFFFFE0]  }
0x3a: {  	v6 =	vld [tilespmem:s17+$0xFFFFFFF0];
	s19 =	sor.u32 $0x4000, s16  }
0x3b: {  	s31 =	sand.u32 $0x1, s13;
	v4 =	vld [tilespmem:s17+$0x0];
	s18 =	sadd.s32 $0x0, s19  }
0x3c: {  	v3 =	vld [tilespmem:s17+$0x10];
	s16 =	smul.u32 $0x8200, s31;
	[tilespmem:s18+$0x1C70 ss:$0x41] =	vst.msk $0xffff, v0  }
0x3d: {  	v2 =	vld [tilespmem:s17+$0x20];
	[tilespmem:s18+$0x410 ss:$0x41] =	vst.msk $0xffff, v1  }
0x3e: {  	s16 =	sshrl.u32 s16, $0x2;
	v1 =	vld [tilespmem:s17+$0xFFFFFFC0];
	[tilespmem:s18+$0x820 ss:$0x41] =	vst.msk $0xffff, v5;
	s17 =	sadd.s32 $0x80, s17  }
0x3f: {  	s20 =	simm.s32 $0x4;
	s21 =	simm.s32 $0x8;
	s16 =	sor.u32 $0x4000, s16;
	[tilespmem:s18+$0xC30 ss:$0x41] =	vst.msk $0xffff, v6;
	v0 =	vld [tilespmem:s17+$0x30]  }
.LBB1_3:
0x40: {  	p1 =	sne.s32 s21, $0xFC;
	v5 =	vld [tilespmem:s17+$0xFFFFFFD0];
	[tilespmem:s18+$0x1040 ss:$0x41] =	vst.msk $0xffff, v4  }
0x41: {  	v6 =	vld [tilespmem:s17+$0xFFFFFFE0];
	[tilespmem:s18+$0x1450 ss:$0x41] =	vst.msk $0xffff, v3  }
0x42: {  	s22 =	sshra.s32 s20, $0x2;
	s20 =	smov.u32 s21;
	v7 =	vld [tilespmem:s17+$0xFFFFFFF0];
	[tilespmem:s18+$0x1860 ss:$0x41] =	vst.msk $0xffff, v2  }
.Ltmp3:
0x43: {  	v4 =	vld [tilespmem:s17+$0x0];
	[tilespmem:s18+$0x0 ss:$0x41] =	vst.msk $0xffff, v1;
	s18 =	sadd.s32 s22, s19;
	(pc) =	sbr.rel @p1 .LBB1_3-.Ltmp3, $4  }
0x44: {  	v3 =	vld [tilespmem:s17+$0x10];
	[tilespmem:s18+$0x1C70 ss:$0x41] =	vst.msk $0xffff, v0  }
0x45: {  	[tilespmem:s18+$0x410 ss:$0x41] =	vst.msk $0xffff, v5;
	v2 =	vld [tilespmem:s17+$0x20]  }
0x46: {  	v1 =	vld [tilespmem:s17+$0xFFFFFFC0];
	[tilespmem:s18+$0x820 ss:$0x41] =	vst.msk $0xffff, v6;
	s17 =	sadd.s32 $0x80, s17  }
0x47: {  	s21 =	sadd.s32 $0x4, s21;
	v0 =	vld [tilespmem:s17+$0x30];
	[tilespmem:s18+$0xC30 ss:$0x41] =	vst.msk $0xffff, v7  }
0x48: {  	s21 =	sshll.u32 s9, $0x7;
	s22 =	sshll.u32 s10, $0x3;
	s20 =	sshra.s32 s20, $0x2  }
0x49: {  	p1 =	sgt.s32 s9, $0xF41C0;
	s30 =	sshra.s32 s9, $0x1F;
	s25 =	sshra.s32 s10, $0x1F  }
0x4a: {  	v5 =	vld [tilespmem:s17+$0xFFFFFFD0];
	s28 =	sshrl.u32 s10, $0x3;
	s23 =	sand.u32 $0xFFFFFC00, s21;
	s22 =	sand.u32 $0xFFFFFC00, s22  }
0x4b: {  	[tilespmem:s18+$0x1040 ss:$0x41] =	vst.msk $0xffff, v4;
	v58 =	vld [tilespmem:s17+$0xFFFFFFE0];
	s21 =	sand.u32 $0x380, s21;
	s19 =	sadd.s32 s20, s19;
	s22 =	sadd.s32 s22, s23  }
0x4c: {  	v59 =	vld [tilespmem:s17+$0xFFFFFFF0];
	[tilespmem:s18+$0x1450 ss:$0x41] =	vst.msk $0xffff, v3;
	s29 =	sor.u32 s21, s22;
	s21 =	smov.u32 s9;
	s22 =	sand.u32 s30, s9  }
0x4d: {  	v60 =	vld [tilespmem:s17+$0x0];
	[tilespmem:s18+$0x1860 ss:$0x41] =	vst.msk $0xffff, v2;
	s30 =	sand.u32 $0x7, s10;
	s20 =	sshrl.u32 s29, $0x7;
	s21 =	simm.s32 @!p1 $0xF41C0  }
0x4e: {  	v61 =	vld [tilespmem:s17+$0x10];
	[tilespmem:s18+$0x0 ss:$0x41] =	vst.msk $0xffff, v1;
	p1 =	sgt.s32 s10, $0x40;
	s24 =	ssub.s32 s21, s22;
	s21 =	smov.u32 s10  }
0x4f: {  	v62 =	vld [tilespmem:s17+$0x20];
	[tilespmem:s19+$0x1C70 ss:$0x41] =	vst.msk $0xffff, v0;
	s31 =	smulhi.u32 $0x218DEF5, s20;
	s22 =	sand.u32 s25, s10;
	s21 =	simm.s32 @!p1 $0x40  }
0x50: {  	v63 =	vld [tilespmem:s17+$0xFFFFFFC0];
	[tilespmem:s19+$0x410 ss:$0x41] =	vst.msk $0xffff, v5;
	s26 =	sadd.s32 $0xFFF0BE40, s24;
	s17 =	ssub.s32 $0xF4240, s24;
	s21 =	ssub.s32 s21, s22  }
0x51: {  	[tilespmem:s19+$0x820 ss:$0x41] =	vst.msk $0xffff, v58;
	s23 =	sshrl.u32 s31, $0xD;
	p1 =	sgt.s32 s26, $0x7F;
	s27 =	sadd.s32 $0xFFFFFFC0, s21  }
0x52: {  	[tilespmem:s19+$0xC30 ss:$0x41] =	vst.msk $0xffff, v59;
	s23 =	smul.u32 $0xF4240, s23;
	s18 =	ssub.s32 $0x80, s21;
	p2 =	sgt.s32 s27, $0x3F  }
.Ltmp4:
0x53: {  	[tilespmem:s19+$0x1040 ss:$0x41] =	vst.msk $0xffff, v60;
	s17 =	simm.s32 @p1 $0x0;
	s18 =	simm.s32 @p2 $0x0;
	(pc) =	sbr.rel .LBB1_5-.Ltmp4, $4  }
0x54: {  	s29 =	sand.u32 $0xF, s28;
	[tilespmem:s19+$0x1450 ss:$0x41] =	vst.msk $0xffff, v61;
	s20 =	ssub.s32 s20, s23;
	s17 =	smul.u32 s18, s17  }
0x55: {  	[tilespmem:s19+$0x1860 ss:$0x41] =	vst.msk $0xffff, v62;
	s21 =	sshll.u32 s30, $0x12;
	s20 =	sshll.u32 s20, $0x4;
	s18 =	sadd.s32 s5, s29  }
0x56: {  	[tilespmem:s19+$0x0 ss:$0x41] =	vst.msk $0xffff, v63;
	s31 =	sor.u32 $0x40, s21;
	s18 =	sadd.s32 s20, s18;
	s17 =	sand.u32 $0x3FFFFFFF, s17  }
0x57: {  	[hbm4b:s18+s31] =	stream.strided.scatter [tilespmem:s16], [sflag:$0x2], s17, s8, s31, $0x18;
	[tilespmem:$0x8100] =	vst v63  }
.LBB1_6:
0x58: {  	_ =	sfence.sel $0x180000  }
0x59: {  	s2 =	simm.s32 $0x1;
	[bflag:$0x0] =	sbarrier.arrive $0xFFFF  }
0x5a: {  	s31 =	simm.s32 $0x2;
	[sflag:s2] =	ssyncpa.u1 $0x1  }
0x5b: {  	[sflag:s31] =	ssyncpa.u1 $0x1  }
0x5c: {  	p0 =	sne.s32 s1, $0x0;
	_ =	strace $0x90000047  }
0x5d: {  	s0 =	sadd.s32 @!p0 $0x100000, s0;
	[bflag:$0x2] =	sbarrier.arrive $0xFFFF  }
0x5e: {  	[sflag:s0] =	ssyncadd.tile.s32 @!p0 $0x1;
	_ =	shalt  }
.Lfunc_end1:
_tile_overlayer_lowered:
.L_overlay_start_2:
0x5f: {  	(tag) =	ssettag $0x2  }
0x60: {  	s0 =	rddreg [dreg:$0x0];
	s2 =	stileid.u32  }
0x61: {  	s1 =	rddreg [dreg:$0x1];
	p0 =	sne.s32 s2, $0x0  }
0x62: {  	s3 =	rddreg [dreg:$0x2];
	[bflag:$0x3] =	sbarrier.arrive $0xFFFF;
	s2 =	simm.s32 @!p0 $0x1C01  }
0x63: {  	[timem:s3], [sflag:s2] =	dma.local @!p0 [hbm:s0], s1  }
0x64: {  	s0 =	simm.s32 @!p0 $0x1  }
0x65: {  	_ =	swait.ge @!p0 [sflag:s0], s1  }
0x66: {  	s1 =	ssub.s32 @!p0 $0x0, s1;
	[sflag:s0] =	ssyncset.done @!p0 $0x0  }
0x67: {  	[sflag:s0] =	ssyncadd.s32 @!p0 s1  }
0x68: {  	[bflag:$0x3] =	sbarrier.arrive $0xFFFF  }
0x69: {  	_ =	shalt  }

// kernel: sparse-core-data-format-call.cloned.1.call-start
scs
called_computation_lowered:
.L_overlay_start_0:
0x0: {  	s2 =	sld [smem:$0x3FD9]  }
0x1: {  	s3 =	sld [smem:$0x3FFE];
	_ =	sdelay $0x1  }
0x2: {  	s1 =	srdreg.scid  }
0x3: {  	s0 =	sand.u32 $0x1, s1  }
0x4: {  	s18 =	sshll.u32 s0, $0xA;
	s2 =	sadd.s32 s3, s2  }
0x5: {  	s2 =	sadd.s32 s2, s18  }
0x6: {  	[smem:$0x3FC6] =	sst s2  }
0x7: {  	_ = 	snop  }
0x8: {  	s2 =	sld [smem:$0x3FD0];
	(tm) =	ssettm $0x1  }
0x9: {  	s19 =	sld [smem:$0x3FFB];
	_ =	sdelay $0x3  }
0xa: {  	_ =	strace s19  }
0xb: {  	s3 =	sld [smem:$0x3FFC];
	_ =	sdelay $0x3  }
0xc: {  	_ =	strace s3  }
0xd: {  	s3 =	sld [smem:$0x3FFD];
	_ =	sdelay $0x3  }
0xe: {  	_ =	strace s3  }
0xf: {  	_ =	strace $0x8FFFFFFF  }
0x10: {  	s20 =	sld [smem:$0x3FDB];
	_ =	sdelay $0x1  }
0x11: {  	s4 =	simm.s32 $_scs_section_size  }
0x12: {  	s5 =	simm.s32 $_size__tile_overlayer_lowered;
	s6 =	simm.s32 $_tile_overlayer_lowered  }
0x13: {  	s23 =	simm.s32 $0x1BFF;
	s22 =	sshll.u32 s6, $0x1;
	s3 =	sadd.s32 s4, s20  }
0x14: {  	s7 =	simm.s32 $0x0;
	s21 =	sshll.u32 s5, $0x1;
	s5 =	sadd.s32 s22, s3  }
0x15: {  	[timem:s7], [sflag:s23] =	dma.local [hbm:s5], s21  }
0x16: {  	_ =	swait.ge [sflag:s23], s21  }
0x17: {  	s4 =	ssub.s32 $0x0, s21;
	[sflag:s23] =	ssyncset.done $0x0  }
0x18: {  	[sflag:s23] =	ssyncadd.s32 s4;
	_ =	sdelay $0x1  }
0x19: {  	s24 =	simm.s32 $0x1B8B  }
0x1a: {  	_ =	swait.ge [sflag:s24], $0x1  }
0x1b: {  	[sflag:s24] =	ssyncset.done $0x0  }
0x1c: {  	s26 =	simm.s32 $0x1B8E;
	s25 =	sld [smem:$0x3FFE];
	[sflag:s24] =	ssyncadd.s32 $0xFFFFFFFF  }
0x1d: {  	s27 =	simm.s32 $execute0_lowered;
	[smem:$0x3FD2] =	sst s26  }
0x1e: {  	s5 =	sshll.u32 s27, $0x1;
	_ =	strace $0x8000004C;
	[dreg:$0x1] =	wrdreg $0xFFFFFFFF  }
0x1f: {  	s28 =	simm.s32 $_size_execute0_lowered;
	s3 =	sadd.s32 s3, s5;
	[dreg:$0x0] =	wrdreg $0x0  }
0x20: {  	s5 =	sshll.u32 s28, $0x1;
	[dreg:$0x2] =	wrdreg s3  }
0x21: {  	[dreg:$0x3] =	wrdreg s5  }
0x22: {  	[dreg:$0x4] =	wrdreg $0xC0  }
0x23: {  	_ =	task [dreg:s7], $0x5FFFF  }
0x24: {  	[dreg:$0x1] =	wrdreg $0xFFFFFFFF  }
0x25: {  	[dreg:$0x0] =	wrdreg $0x60  }
0x26: {  	[dreg:$0x2] =	wrdreg s25  }
0x27: {  	[dreg:$0x3] =	wrdreg s2  }
0x28: {  	[dreg:$0x4] =	wrdreg $0x9  }
0x29: {  	_ =	task.clear_ibuf [dreg:s7], $0x5FFFF;
	_ =	strace $0x9000004C  }
0x2a: {  	s29 =	simm.s32 $0x9;
	_ =	strace $0x8000004E  }
0x2b: {  	_ =	swait.ge [sflag:s29], $0x1  }
0x2c: {  	[sflag:s29] =	ssyncadd.s32 $0xFFFFFFFF  }
0x2d: {  	_ =	strace $0x9000004E  }
0x2e: {  	_ =	sfence  }
0x2f: {  	s30 =	sld [smem:$0x0];
	_ =	sdelay $0x2  }
0x30: {  	s31 =	sshll.u32 s1, $0xD;
	s1 =	sshrl.u32 s1, $0x2  }
0x31: {  	s3 =	sand.u32 $0x4000, s31;
	s1 =	sadd.s32 s1, s30  }
0x32: {  	s0 =	sor.u32 s3, s0;
	s1 =	sshll.u32 s1, $0x11  }
0x33: {  	s0 =	sor.u32 s1, s0  }
0x34: {  	s0 =	sadd.s32 $0x8F2B, s0  }
0x35: {  	[sflag:s0] =	ssyncadd.remote.s32 $0x1  }
0x36: {  	_ =	sfence.sel $0xFFFF  }
0x37: {  	[dreg:$0x0] =	wrdreg $0xFFFFFFFF;
	(pc) =	sbr.abs _section_cstart, $3  }
0x38: {  	[dreg:$0x1] =	wrdreg $0xFFFFFFFF  }
0x39: {  	_ =	task.clear_ibuf [dreg:s7], $0x2FFFF;
	_ =	strace $0x9FFFFFFF  }
0x3a: {  	(tm) =	ssettm $0x7FFFFFFF  }
0x3b: {  	_ =	shalt  }
tec
execute0_lowered:
.L_overlay_start_1:
0x0: {  	(tag) =	ssettag $0x1  }
0x1: {  	s0 =	srdreg.scid  }
0x2: {  	s1 =	sshll.u32 s0, $0x4  }
0x3: {  	s0 =	stileid.u32;
	s1 =	sand.u32 $0x10, s1  }
0x4: {  	s1 =	sor.u32 s0, s1  }
0x5: {  	s6 =	rddreg [dreg:$0x0];
	s4 =	simm.s32 $0x1;
	s2 =	sshll.u32 s1, $0x7  }
0x6: {  	s7 =	simm.s32 $0x2;
	s12 =	simm.s32 $0x0;
	s1 =	ssub.s32 $0x1000, s2  }
0x7: {  	s8 =	simm.s32 $0x8000;
	s13 =	simm.s32 $0x0;
	s3 =	sand.u32 $0xF80, s1  }
0x8: {  	s9 =	simm.s32 $0x0;
	s5 =	sshrl.u32 s1, $0xC;
	p0 =	sne.s32 s3, $0x0  }
.Ltmp0:
0x9: {  	s1 =	rddreg [dreg:$0x2];
	s4 =	simm.s32 @!p0 $0x0;
	(pc) =	sbr.rel .LBB1_1-.Ltmp0, $4  }
0xa: {  	s11 =	simm.s32 $0x0;
	s3 =	rddreg [dreg:$0x1];
	s5 =	sadd.s32 s4, s5  }
0xb: {  	_ =	strace $0x8000004D;
	s4 =	simm.s32 $0x1;
	s5 =	smul.u32 $0x32, s5  }
0xc: {  	s6 =	sadd.s32 $0xE00, s6;
	s10 =	smov.u32 s2;
	[sflag:s4] =	ssyncpa.u1 $0x0  }
0xd: {  	p0 =	por $0x0, $0x0;
	[sflag:s7] =	ssyncpa.u1 $0x0;
	s7 =	sor.u32 $0x1, s5  }
.LBB1_4:
0xe: {  	s16 =	sshll.u32 s13, $0x3;
	s17 =	sand.u32 $0x78, s13  }
0xf: {  	s30 =	sand.u32 $0x7E00, s13;
	s12 =	sshll.u32 s12, $0xF;
	s16 =	sand.u32 $0xC00, s16  }
0x10: {  	[tilespmem:s15+$0x810 ss:$0x81] =	vst.msk $0xffff, v2;
	s31 =	sand.u32 $0x7, s13;
	s16 =	sor.u32 s17, s16;
	s17 =	sadd.s32 s3, s30  }
0x11: {  	[tilespmem:s15+$0x1020 ss:$0x81] =	vst.msk $0xffff, v0;
	s13 =	sshll.u32 s31, $0x12;
	s12 =	sadd.s32 s12, s17;
	s16 =	sshrl.u32 s16, $0x3  }
0x12: {  	[tilespmem:s15+$0x0 ss:$0x81] =	vst.msk $0xffff, v1;
	s13 =	sor.u32 $0x400, s13;
	s12 =	sadd.s32 s16, s12  }
0x13: {  	[hbm4b:s12+s13] =	stream.strided.scatter [tilespmem:s14], [sflag:$0x2], $0x2000, s8, s13, $0x20;
	[tilespmem:$0x8080] =	vst v63  }
.LBB1_5:
0x14: {  	s14 =	sadd.s32 $0x1, s9  }
0x15: {  	s12 =	sadd.s32 $0x1000, s10;
	s16 =	smov.u32 s10;
	p2 =	sgt.s32 s14, $0x31  }
0x16: {  	s16 =	smov.u32 @p2 s12  }
0x17: {  	s14 =	simm.s32 @p2 $0x0;
	p2 =	sgt.s32 s16, $0xFFF  }
0x18: {  	s16 =	smov.u32 @p2 s2;
	p2 =	sne.s32 s11, s7  }
.Ltmp1:
0x19: {  	p1 =	slt.u32 s11, $0x2;
	(pc) =	sbr.rel @!p2 .LBB1_6-.Ltmp1, $4  }
0x1a: {  	s15 =	simm.s32 @!p1 $0x2  }
0x1b: {  	s13 =	smov.u32 s10;
	p0 =	por !p0, !p0;
	_ =	swait.ge @!p1 [sflag:s15], $0x2000  }
0x1c: {  	s12 =	smov.u32 s9;
	[sflag:s15] =	ssyncset.done @!p1 $0x0;
	s9 =	smov.u32 s14  }
0x1d: {  	s11 =	sadd.s32 $0x1, s11;
	[sflag:s15] =	ssyncadd.s32 @!p1 $0xFFFFE000;
	s10 =	smov.u32 s16  }
.LBB1_1:
0x1e: {  	p1 =	sge.u32 s11, s5  }
0x1f: {  	s14 =	sand.u32 @!p1 $0x1FFFFFF, s9  }
0x20: {  	s15 =	smulhi.u32 @!p1 $0x4924925, s14;
	_ =	sdelay $0x1  }
0x21: {  	s15 =	smul.u32 @!p1 $0x38, s15  }
0x22: {  	s16 =	sxor.u32 @!p1 $0xFFFFFFFF, s11;
	s17 =	smul.u32 @!p1 $0x380, s10  }
0x23: {  	s31 =	sadd.s32 $0xFFFFFFFF, s11;
	s16 =	sshll.u32 @!p1 s16, $0xD;
	s14 =	ssub.s32 @!p1 s14, s15  }
0x24: {  	s15 =	sand.u32 @!p1 $0x2000, s16;
	s16 =	sadd.s32 @!p1 s6, s17;
	s14 =	sshll.u32 @!p1 s14, $0x4  }
0x25: {  	s17 =	simm.s32 @!p1 $0x1C00;
	s14 =	sadd.s32 @!p1 s14, s16;
	s16 =	simm.s32 @!p1 $0x40  }
0x26: {  	[tilespmem:s15], [sflag:$0x1] =	stream.strided.gather @!p1 [hbm4b:s14+s16], $0x2000, s17, s16, $0x38;
	[tilespmem:$0x8080] =	vst v63  }
0x27: {  	p1 =	sge.u32 s31, s5  }
.Ltmp2:
0x28: {  	_ = 	snop;
	(pc) =	sbr.rel @p1 .LBB1_5-.Ltmp2, $1  }
0x29: {  	_ =	sdelay $0x3  }
0x2a: {  	s14 =	simm.s32 $0x1  }
0x2b: {  	_ =	swait.ge [sflag:s4], $0x2000;
	s14 =	simm.s32 @!p0 $0x0  }
0x2c: {  	[sflag:s4] =	ssyncset.done $0x0;
	s15 =	sshll.u32 s14, $0xD  }
0x2d: {  	[sflag:s4] =	ssyncadd.s32 $0xFFFFE000;
	s18 =	sor.u32 $0x20, s15  }
0x2e: {  	s14 =	smul.u32 $0x8100, s14;
	v3 =	vld [tilespmem:s18+$0x10]  }
0x2f: {  	s30 =	sand.u32 $0x1, s11;
	v2 =	vld [tilespmem:s18+$0xFFFFFFF0]  }
0x30: {  	s15 =	smul.u32 $0x8100, s30;
	s14 =	sshrl.u32 s14, $0x2;
	v0 =	vld [tilespmem:s18+$0x0]  }
0x31: {  	v1 =	vld [tilespmem:s18+$0xFFFFFFE0];
	s16 =	sor.u32 $0x4000, s14  }
0x32: {  	s31 =	sshrl.u32 s15, $0x2;
	s15 =	sadd.s32 $0x0, s16  }
0x33: {  	s17 =	simm.s32 $0x4;
	s18 =	sadd.s32 $0x40, s18;
	s14 =	sor.u32 $0x4000, s31;
	[tilespmem:s15+$0x1830 ss:$0x81] =	vst.msk $0xffff, v3  }
.LBB1_3:
0x34: {  	v3 =	vld [tilespmem:s18+$0x10];
	p1 =	sne.s32 s17, $0x1FC;
	[tilespmem:s15+$0x810 ss:$0x81] =	vst.msk $0xffff, v2;
	s19 =	smov.u32 s17;
	s17 =	sadd.s32 $0x4, s17  }
.Ltmp3:
0x35: {  	v2 =	vld [tilespmem:s18+$0xFFFFFFF0];
	[tilespmem:s15+$0x1020 ss:$0x81] =	vst.msk $0xffff, v0;
	(pc) =	sbr.rel @p1 .LBB1_3-.Ltmp3, $4  }
0x36: {  	v0 =	vld [tilespmem:s18+$0x0];
	[tilespmem:s15+$0x0 ss:$0x81] =	vst.msk $0xffff, v1  }
0x37: {  	s15 =	sshra.s32 s19, $0x2;
	v1 =	vld [tilespmem:s18+$0xFFFFFFE0]  }
0x38: {  	s15 =	sadd.s32 s15, s16  }
0x39: {  	s18 =	sadd.s32 $0x40, s18;
	[tilespmem:s15+$0x1830 ss:$0x81] =	vst.msk $0xffff, v3  }
.Ltmp4:
0x3a: {  	_ = 	snop;
	(pc) =	sbr.rel .LBB1_4-.Ltmp4, $1  }
0x3b: {  	_ =	sdelay $0x3  }
.LBB1_6:
0x3c: {  	_ =	sfence.sel $0x180000  }
0x3d: {  	s2 =	simm.s32 $0x1;
	[bflag:$0x0] =	sbarrier.arrive $0xFFFF  }
0x3e: {  	s31 =	simm.s32 $0x2;
	[sflag:s2] =	ssyncpa.u1 $0x1  }
0x3f: {  	[sflag:s31] =	ssyncpa.u1 $0x1  }
0x40: {  	p0 =	sne.s32 s0, $0x0;
	_ =	strace $0x9000004D  }
0x41: {  	s0 =	sadd.s32 @!p0 $0x100000, s1;
	[bflag:$0x2] =	sbarrier.arrive $0xFFFF  }
0x42: {  	[sflag:s0] =	ssyncadd.tile.s32 @!p0 $0x1;
	_ =	shalt  }
.Lfunc_end1:
_tile_overlayer_lowered:
.L_overlay_start_2:
0x43: {  	(tag) =	ssettag $0x2  }
0x44: {  	s0 =	rddreg [dreg:$0x0];
	s2 =	stileid.u32  }
0x45: {  	s1 =	rddreg [dreg:$0x1];
	p0 =	sne.s32 s2, $0x0  }
0x46: {  	s3 =	rddreg [dreg:$0x2];
	[bflag:$0x3] =	sbarrier.arrive $0xFFFF;
	s2 =	simm.s32 @!p0 $0x1C01  }
0x47: {  	[timem:s3], [sflag:s2] =	dma.local @!p0 [hbm:s0], s1  }
0x48: {  	s0 =	simm.s32 @!p0 $0x1  }
0x49: {  	_ =	swait.ge @!p0 [sflag:s0], s1  }
0x4a: {  	s1 =	ssub.s32 @!p0 $0x0, s1;
	[sflag:s0] =	ssyncset.done @!p0 $0x0  }
0x4b: {  	[sflag:s0] =	ssyncadd.s32 @!p0 s1  }
0x4c: {  	[bflag:$0x3] =	sbarrier.arrive $0xFFFF  }
0x4d: {  	_ =	shalt  }

</sc_bundles>
